<compile_context>
chip_gen: v7x
topology: tpu7x:2x2x1
jax: 0.10.2.dev20260603
libtpu: 0.0.44.dev20260713+nightly
codegen_flags: <defaults>
</compile_context>

<pallas_src>
import functools

import jax
import jax.numpy as jnp
from jax import lax
from jax.experimental import pallas as pl
from jax.experimental.pallas import tpu as pltpu
from jax.experimental.pallas import tpu_sc as plsc

_B = 4
_S = 2048
_D = 1024
_NW = 32
_S_SC = 512
_S_TC = _S - _S_SC
_SROWS = _S_SC // _NW
_CROWS = 8
_NCHUNK = _SROWS // _CROWS
_CHUNK = _CROWS * _D


def _sc_body(x_hbm, emb_hbm, out_hbm, emb_v, x_v, e_sems, l_sems, s_sems):
    wid = lax.axis_index("s") * 2 + lax.axis_index("c")
    row0 = _S_TC + wid * _SROWS
    orow0 = wid * _SROWS

    def start_loads(c, slot):
        r = row0 + c * _CROWS
        elds = pltpu.async_copy(emb_hbm.at[pl.ds(r, _CROWS), :],
                                emb_v[slot], e_sems[slot])
        xlds = [pltpu.async_copy(x_hbm.at[b, pl.ds(r, _CROWS), :],
                                 x_v[b][slot], l_sems[b][slot])
                for b in range(_B)]
        return elds, xlds

    lds = {0: start_loads(0, 0)}
    sts = {}
    for c in range(_NCHUNK):
        slot = c % 2
        if c + 1 < _NCHUNK:
            if c - 1 >= 0:
                for h in sts[c - 1]:
                    h.wait()
            lds[c + 1] = start_loads(c + 1, (c + 1) % 2)
        elds, xlds = lds[c]
        elds.wait()
        for h in xlds:
            h.wait()

        ev = emb_v[slot]
        xa0, xa1, xa2, xa3 = (x_v[b][slot] for b in range(_B))

        @plsc.parallel_loop(0, _CHUNK, 16, unroll=8)
        def _add(i):
            r = i >> 10
            c16 = pl.multiple_of(i & (_D - 1), 16)
            e = ev[r, pl.ds(c16, 16)]
            xa0[r, pl.ds(c16, 16)] = xa0[r, pl.ds(c16, 16)] + e
            xa1[r, pl.ds(c16, 16)] = xa1[r, pl.ds(c16, 16)] + e
            xa2[r, pl.ds(c16, 16)] = xa2[r, pl.ds(c16, 16)] + e
            xa3[r, pl.ds(c16, 16)] = xa3[r, pl.ds(c16, 16)] + e

        ro = orow0 + c * _CROWS
        sts[c] = [pltpu.async_copy(x_v[b][slot],
                                   out_hbm.at[b, pl.ds(ro, _CROWS), :],
                                   s_sems[b][slot])
                  for b in range(_B)]
    for c in range(max(0, _NCHUNK - 2), _NCHUNK):
        for h in sts[c]:
            h.wait()


_SCRATCH = (
    [pltpu.VMEM((_CROWS, _D), jnp.float32) for _ in range(2)]
    + [pltpu.VMEM((_CROWS, _D), jnp.float32) for _ in range(_B * 2)]
    + [pltpu.SemaphoreType.DMA for _ in range(2 + _B * 2 + _B * 2)]
)


@functools.partial(
    pl.kernel,
    mesh=plsc.VectorSubcoreMesh(core_axis_name="c", subcore_axis_name="s"),
    out_type=jax.ShapeDtypeStruct((_B, _S_SC, _D), jnp.float32),
    scratch_types=_SCRATCH,
)
def _sc_add(x_hbm, emb_hbm, out_hbm, *scratch):
    emb_v = scratch[0:2]
    x_v = [scratch[2 + 2 * b:4 + 2 * b] for b in range(_B)]
    e_sems = scratch[10:12]
    l_sems = [scratch[12 + 2 * b:14 + 2 * b] for b in range(_B)]
    s_sems = [scratch[20 + 2 * b:22 + 2 * b] for b in range(_B)]
    _sc_body(x_hbm, emb_hbm, out_hbm, emb_v, x_v, e_sems, l_sems, s_sems)


def _tc_body(x_ref, emb_ref, out_ref):
    out_ref[...] = x_ref[...] + emb_ref[...][None, :, :]


def _tc_add(x, emb):
    return pl.pallas_call(
        _tc_body,
        grid=(1, _B),
        in_specs=[
            pl.BlockSpec((1, _S_TC, _D), lambda s, b: (b, s, 0)),
            pl.BlockSpec((_S_TC, _D), lambda s, b: (s, 0)),
        ],
        out_specs=pl.BlockSpec((1, _S_TC, _D), lambda s, b: (b, s, 0)),
        out_shape=jax.ShapeDtypeStruct((_B, _S, _D), x.dtype),
    )(x, emb)


def kernel(x, emb):
    sc = _sc_add(x, emb)
    tc_full = _tc_add(x, emb)
    return lax.dynamic_update_slice(tc_full, sc, (0, _S_TC, 0))

# --- scband reference (transcript-rebuilt; emitter-appended) ---
"""Pipeline reference for scband-learnable-positional-encoding-27986006901402 (READ-ONLY COPY).

The authoritative reference and input builder live on the scoring server;
editing this copy changes nothing except your own understanding.
"""

import jax, jax.numpy as jnp
import numpy as np

D_MODEL = 1024
MAX_LEN = 2048
BATCH = 4
SEQ = 2048

def setup_inputs(seed: int = 0) -> dict:
    key = jax.random.key(seed)
    kx, kw = jax.random.split(key)
    x = jax.random.normal(kx, (BATCH, SEQ, D_MODEL), dtype=jnp.float32)
    emb = jax.random.uniform(kw, (MAX_LEN, D_MODEL), dtype=jnp.float32, minval=-0.1, maxval=0.1)
    return {"x": x, "emb": emb}

def reference(x, emb):
    # pos = arange(seq_len); lookup positional embeddings and add (broadcast over batch)
    pos = jnp.arange(x.shape[1], dtype=jnp.int32)
    pe = jnp.take(emb, pos, axis=0)  # [S, d_model]
    # dropout p=0 -> identity
    return x + pe[None, :, :]

if __name__ == "__main__":
    import jax
    _d = setup_inputs()
    print(jax.jit(kernel)(*tuple(_d.values())))

</pallas_src>

<mosaic_0001>
#map = affine_map<(d0, d1) -> (0, 0, 0)>
#map1 = affine_map<(d0, d1) -> (0, 0)>
module attributes {stable_mosaic.version = 14 : i64} {
  func.func @_sc_add(%arg0: i32, %arg1: i32, %arg2: memref<4x2048x1024xf32, #tpu.memory_space<hbm>>, %arg3: memref<2048x1024xf32, #tpu.memory_space<hbm>>, %arg4: memref<4x512x1024xf32, #tpu.memory_space<hbm>>, %arg5: memref<8x1024xf32, #tpu.memory_space<vmem>>, %arg6: memref<8x1024xf32, #tpu.memory_space<vmem>>, %arg7: memref<8x1024xf32, #tpu.memory_space<vmem>>, %arg8: memref<8x1024xf32, #tpu.memory_space<vmem>>, %arg9: memref<8x1024xf32, #tpu.memory_space<vmem>>, %arg10: memref<8x1024xf32, #tpu.memory_space<vmem>>, %arg11: memref<8x1024xf32, #tpu.memory_space<vmem>>, %arg12: memref<8x1024xf32, #tpu.memory_space<vmem>>, %arg13: memref<8x1024xf32, #tpu.memory_space<vmem>>, %arg14: memref<8x1024xf32, #tpu.memory_space<vmem>>, %arg15: memref<!tpu.dma_semaphore, #tpu.memory_space<semaphore_mem>>, %arg16: memref<!tpu.dma_semaphore, #tpu.memory_space<semaphore_mem>>, %arg17: memref<!tpu.dma_semaphore, #tpu.memory_space<semaphore_mem>>, %arg18: memref<!tpu.dma_semaphore, #tpu.memory_space<semaphore_mem>>, %arg19: memref<!tpu.dma_semaphore, #tpu.memory_space<semaphore_mem>>, %arg20: memref<!tpu.dma_semaphore, #tpu.memory_space<semaphore_mem>>, %arg21: memref<!tpu.dma_semaphore, #tpu.memory_space<semaphore_mem>>, %arg22: memref<!tpu.dma_semaphore, #tpu.memory_space<semaphore_mem>>, %arg23: memref<!tpu.dma_semaphore, #tpu.memory_space<semaphore_mem>>, %arg24: memref<!tpu.dma_semaphore, #tpu.memory_space<semaphore_mem>>, %arg25: memref<!tpu.dma_semaphore, #tpu.memory_space<semaphore_mem>>, %arg26: memref<!tpu.dma_semaphore, #tpu.memory_space<semaphore_mem>>, %arg27: memref<!tpu.dma_semaphore, #tpu.memory_space<semaphore_mem>>, %arg28: memref<!tpu.dma_semaphore, #tpu.memory_space<semaphore_mem>>, %arg29: memref<!tpu.dma_semaphore, #tpu.memory_space<semaphore_mem>>, %arg30: memref<!tpu.dma_semaphore, #tpu.memory_space<semaphore_mem>>, %arg31: memref<!tpu.dma_semaphore, #tpu.memory_space<semaphore_mem>>, %arg32: memref<!tpu.dma_semaphore, #tpu.memory_space<semaphore_mem>>) attributes {dimension_semantics = [#tpu.dimension_semantics<core_parallel>, #tpu.dimension_semantics<subcore_parallel>], iteration_bounds = array<i64: 2, 16>, scalar_prefetch = 0 : i64, scratch_operands = 28 : i64, tpu.core_type = #tpu.core_type<sc_vector_subcore>, window_params = [{transform_indices = #map}, {transform_indices = #map1}, {transform_indices = #map}]} {
    %mul3A = arith.constant 2 : i32
    %mul3A_0 = arith.muli %arg1, %mul3A : i32
    %add3A = arith.addi %mul3A_0, %arg0 : i32
    %mul3A_1 = arith.constant 16 : i32
    %mul3A_2 = arith.muli %add3A, %mul3A_1 : i32
    %add3A_3 = arith.constant 1536 : i32
    %add3A_4 = arith.addi %add3A_3, %mul3A_2 : i32
    %mul3A_5 = arith.constant 16 : i32
    %mul3A_6 = arith.muli %add3A, %mul3A_5 : i32
    %add3A_7 = arith.constant 0 : i32
    %add3A_8 = arith.addi %add3A_4, %add3A_7 : i32
    %dma_start3A = arith.constant 0 : i32
    %dma_start3A_9 = tpu.memref_slice %arg3[%add3A_8, %dma_start3A] : memref<2048x1024xf32, #tpu.memory_space<hbm>> -> memref<8x1024xf32, #tpu.memory_space<hbm>>
    %dma_start3A_10 = arith.constant 0 : i32
    %dma_start3A_11 = tpu.memref_slice %arg3[%add3A_8, %dma_start3A_10] : memref<2048x1024xf32, #tpu.memory_space<hbm>> -> memref<8x1024xf32, #tpu.memory_space<hbm>>
    tpu.enqueue_dma source(%dma_start3A_11 : memref<8x1024xf32, #tpu.memory_space<hbm>>) target(%arg5 : memref<8x1024xf32, #tpu.memory_space<vmem>>) target_semaphore(%arg15 : memref<!tpu.dma_semaphore, #tpu.memory_space<semaphore_mem>>)
    %dma_start3A_12 = arith.constant 0 : i32
    %dma_start3A_13 = arith.constant 0 : i32
    %dma_start3A_14 = tpu.memref_slice %arg2[%dma_start3A_12, %add3A_8, %dma_start3A_13] : memref<4x2048x1024xf32, #tpu.memory_space<hbm>> -> memref<1x8x1024xf32, #tpu.memory_space<hbm>>
    %dma_start3A_15 = tpu.memref_squeeze %dma_start3A_14 : memref<1x8x1024xf32, #tpu.memory_space<hbm>> -> memref<8x1024xf32, #tpu.memory_space<hbm>>
    %dma_start3A_16 = arith.constant 0 : i32
    %dma_start3A_17 = tpu.memref_slice %arg2[%dma_start3A_12, %add3A_8, %dma_start3A_16] : memref<4x2048x1024xf32, #tpu.memory_space<hbm>> -> memref<1x8x1024xf32, #tpu.memory_space<hbm>>
    %dma_start3A_18 = tpu.memref_squeeze %dma_start3A_17 : memref<1x8x1024xf32, #tpu.memory_space<hbm>> -> memref<8x1024xf32, #tpu.memory_space<hbm>>
    tpu.enqueue_dma source(%dma_start3A_18 : memref<8x1024xf32, #tpu.memory_space<hbm>>) target(%arg7 : memref<8x1024xf32, #tpu.memory_space<vmem>>) target_semaphore(%arg17 : memref<!tpu.dma_semaphore, #tpu.memory_space<semaphore_mem>>)
    %dma_start3A_19 = arith.constant 1 : i32
    %dma_start3A_20 = arith.constant 0 : i32
    %dma_start3A_21 = tpu.memref_slice %arg2[%dma_start3A_19, %add3A_8, %dma_start3A_20] : memref<4x2048x1024xf32, #tpu.memory_space<hbm>> -> memref<1x8x1024xf32, #tpu.memory_space<hbm>>
    %dma_start3A_22 = tpu.memref_squeeze %dma_start3A_21 : memref<1x8x1024xf32, #tpu.memory_space<hbm>> -> memref<8x1024xf32, #tpu.memory_space<hbm>>
    %dma_start3A_23 = arith.constant 0 : i32
    %dma_start3A_24 = tpu.memref_slice %arg2[%dma_start3A_19, %add3A_8, %dma_start3A_23] : memref<4x2048x1024xf32, #tpu.memory_space<hbm>> -> memref<1x8x1024xf32, #tpu.memory_space<hbm>>
    %dma_start3A_25 = tpu.memref_squeeze %dma_start3A_24 : memref<1x8x1024xf32, #tpu.memory_space<hbm>> -> memref<8x1024xf32, #tpu.memory_space<hbm>>
    tpu.enqueue_dma source(%dma_start3A_25 : memref<8x1024xf32, #tpu.memory_space<hbm>>) target(%arg9 : memref<8x1024xf32, #tpu.memory_space<vmem>>) target_semaphore(%arg19 : memref<!tpu.dma_semaphore, #tpu.memory_space<semaphore_mem>>)
    %dma_start3A_26 = arith.constant 2 : i32
    %dma_start3A_27 = arith.constant 0 : i32
    %dma_start3A_28 = tpu.memref_slice %arg2[%dma_start3A_26, %add3A_8, %dma_start3A_27] : memref<4x2048x1024xf32, #tpu.memory_space<hbm>> -> memref<1x8x1024xf32, #tpu.memory_space<hbm>>
    %dma_start3A_29 = tpu.memref_squeeze %dma_start3A_28 : memref<1x8x1024xf32, #tpu.memory_space<hbm>> -> memref<8x1024xf32, #tpu.memory_space<hbm>>
    %dma_start3A_30 = arith.constant 0 : i32
    %dma_start3A_31 = tpu.memref_slice %arg2[%dma_start3A_26, %add3A_8, %dma_start3A_30] : memref<4x2048x1024xf32, #tpu.memory_space<hbm>> -> memref<1x8x1024xf32, #tpu.memory_space<hbm>>
    %dma_start3A_32 = tpu.memref_squeeze %dma_start3A_31 : memref<1x8x1024xf32, #tpu.memory_space<hbm>> -> memref<8x1024xf32, #tpu.memory_space<hbm>>
    tpu.enqueue_dma source(%dma_start3A_32 : memref<8x1024xf32, #tpu.memory_space<hbm>>) target(%arg11 : memref<8x1024xf32, #tpu.memory_space<vmem>>) target_semaphore(%arg21 : memref<!tpu.dma_semaphore, #tpu.memory_space<semaphore_mem>>)
    %dma_start3A_33 = arith.constant 3 : i32
    %dma_start3A_34 = arith.constant 0 : i32
    %dma_start3A_35 = tpu.memref_slice %arg2[%dma_start3A_33, %add3A_8, %dma_start3A_34] : memref<4x2048x1024xf32, #tpu.memory_space<hbm>> -> memref<1x8x1024xf32, #tpu.memory_space<hbm>>
    %dma_start3A_36 = tpu.memref_squeeze %dma_start3A_35 : memref<1x8x1024xf32, #tpu.memory_space<hbm>> -> memref<8x1024xf32, #tpu.memory_space<hbm>>
    %dma_start3A_37 = arith.constant 0 : i32
    %dma_start3A_38 = tpu.memref_slice %arg2[%dma_start3A_33, %add3A_8, %dma_start3A_37] : memref<4x2048x1024xf32, #tpu.memory_space<hbm>> -> memref<1x8x1024xf32, #tpu.memory_space<hbm>>
    %dma_start3A_39 = tpu.memref_squeeze %dma_start3A_38 : memref<1x8x1024xf32, #tpu.memory_space<hbm>> -> memref<8x1024xf32, #tpu.memory_space<hbm>>
    tpu.enqueue_dma source(%dma_start3A_39 : memref<8x1024xf32, #tpu.memory_space<hbm>>) target(%arg13 : memref<8x1024xf32, #tpu.memory_space<vmem>>) target_semaphore(%arg23 : memref<!tpu.dma_semaphore, #tpu.memory_space<semaphore_mem>>)
    %add3A_40 = arith.constant 8 : i32
    %add3A_41 = arith.addi %add3A_4, %add3A_40 : i32
    %dma_start3A_42 = arith.constant 0 : i32
    %dma_start3A_43 = tpu.memref_slice %arg3[%add3A_41, %dma_start3A_42] : memref<2048x1024xf32, #tpu.memory_space<hbm>> -> memref<8x1024xf32, #tpu.memory_space<hbm>>
    %dma_start3A_44 = arith.constant 0 : i32
    %dma_start3A_45 = tpu.memref_slice %arg3[%add3A_41, %dma_start3A_44] : memref<2048x1024xf32, #tpu.memory_space<hbm>> -> memref<8x1024xf32, #tpu.memory_space<hbm>>
    tpu.enqueue_dma source(%dma_start3A_45 : memref<8x1024xf32, #tpu.memory_space<hbm>>) target(%arg6 : memref<8x1024xf32, #tpu.memory_space<vmem>>) target_semaphore(%arg16 : memref<!tpu.dma_semaphore, #tpu.memory_space<semaphore_mem>>)
    %dma_start3A_46 = arith.constant 0 : i32
    %dma_start3A_47 = arith.constant 0 : i32
    %dma_start3A_48 = tpu.memref_slice %arg2[%dma_start3A_46, %add3A_41, %dma_start3A_47] : memref<4x2048x1024xf32, #tpu.memory_space<hbm>> -> memref<1x8x1024xf32, #tpu.memory_space<hbm>>
    %dma_start3A_49 = tpu.memref_squeeze %dma_start3A_48 : memref<1x8x1024xf32, #tpu.memory_space<hbm>> -> memref<8x1024xf32, #tpu.memory_space<hbm>>
    %dma_start3A_50 = arith.constant 0 : i32
    %dma_start3A_51 = tpu.memref_slice %arg2[%dma_start3A_46, %add3A_41, %dma_start3A_50] : memref<4x2048x1024xf32, #tpu.memory_space<hbm>> -> memref<1x8x1024xf32, #tpu.memory_space<hbm>>
    %dma_start3A_52 = tpu.memref_squeeze %dma_start3A_51 : memref<1x8x1024xf32, #tpu.memory_space<hbm>> -> memref<8x1024xf32, #tpu.memory_space<hbm>>
    tpu.enqueue_dma source(%dma_start3A_52 : memref<8x1024xf32, #tpu.memory_space<hbm>>) target(%arg8 : memref<8x1024xf32, #tpu.memory_space<vmem>>) target_semaphore(%arg18 : memref<!tpu.dma_semaphore, #tpu.memory_space<semaphore_mem>>)
    %dma_start3A_53 = arith.constant 1 : i32
    %dma_start3A_54 = arith.constant 0 : i32
    %dma_start3A_55 = tpu.memref_slice %arg2[%dma_start3A_53, %add3A_41, %dma_start3A_54] : memref<4x2048x1024xf32, #tpu.memory_space<hbm>> -> memref<1x8x1024xf32, #tpu.memory_space<hbm>>
    %dma_start3A_56 = tpu.memref_squeeze %dma_start3A_55 : memref<1x8x1024xf32, #tpu.memory_space<hbm>> -> memref<8x1024xf32, #tpu.memory_space<hbm>>
    %dma_start3A_57 = arith.constant 0 : i32
    %dma_start3A_58 = tpu.memref_slice %arg2[%dma_start3A_53, %add3A_41, %dma_start3A_57] : memref<4x2048x1024xf32, #tpu.memory_space<hbm>> -> memref<1x8x1024xf32, #tpu.memory_space<hbm>>
    %dma_start3A_59 = tpu.memref_squeeze %dma_start3A_58 : memref<1x8x1024xf32, #tpu.memory_space<hbm>> -> memref<8x1024xf32, #tpu.memory_space<hbm>>
    tpu.enqueue_dma source(%dma_start3A_59 : memref<8x1024xf32, #tpu.memory_space<hbm>>) target(%arg10 : memref<8x1024xf32, #tpu.memory_space<vmem>>) target_semaphore(%arg20 : memref<!tpu.dma_semaphore, #tpu.memory_space<semaphore_mem>>)
    %dma_start3A_60 = arith.constant 2 : i32
    %dma_start3A_61 = arith.constant 0 : i32
    %dma_start3A_62 = tpu.memref_slice %arg2[%dma_start3A_60, %add3A_41, %dma_start3A_61] : memref<4x2048x1024xf32, #tpu.memory_space<hbm>> -> memref<1x8x1024xf32, #tpu.memory_space<hbm>>
    %dma_start3A_63 = tpu.memref_squeeze %dma_start3A_62 : memref<1x8x1024xf32, #tpu.memory_space<hbm>> -> memref<8x1024xf32, #tpu.memory_space<hbm>>
    %dma_start3A_64 = arith.constant 0 : i32
    %dma_start3A_65 = tpu.memref_slice %arg2[%dma_start3A_60, %add3A_41, %dma_start3A_64] : memref<4x2048x1024xf32, #tpu.memory_space<hbm>> -> memref<1x8x1024xf32, #tpu.memory_space<hbm>>
    %dma_start3A_66 = tpu.memref_squeeze %dma_start3A_65 : memref<1x8x1024xf32, #tpu.memory_space<hbm>> -> memref<8x1024xf32, #tpu.memory_space<hbm>>
    tpu.enqueue_dma source(%dma_start3A_66 : memref<8x1024xf32, #tpu.memory_space<hbm>>) target(%arg12 : memref<8x1024xf32, #tpu.memory_space<vmem>>) target_semaphore(%arg22 : memref<!tpu.dma_semaphore, #tpu.memory_space<semaphore_mem>>)
    %dma_start3A_67 = arith.constant 3 : i32
    %dma_start3A_68 = arith.constant 0 : i32
    %dma_start3A_69 = tpu.memref_slice %arg2[%dma_start3A_67, %add3A_41, %dma_start3A_68] : memref<4x2048x1024xf32, #tpu.memory_space<hbm>> -> memref<1x8x1024xf32, #tpu.memory_space<hbm>>
    %dma_start3A_70 = tpu.memref_squeeze %dma_start3A_69 : memref<1x8x1024xf32, #tpu.memory_space<hbm>> -> memref<8x1024xf32, #tpu.memory_space<hbm>>
    %dma_start3A_71 = arith.constant 0 : i32
    %dma_start3A_72 = tpu.memref_slice %arg2[%dma_start3A_67, %add3A_41, %dma_start3A_71] : memref<4x2048x1024xf32, #tpu.memory_space<hbm>> -> memref<1x8x1024xf32, #tpu.memory_space<hbm>>
    %dma_start3A_73 = tpu.memref_squeeze %dma_start3A_72 : memref<1x8x1024xf32, #tpu.memory_space<hbm>> -> memref<8x1024xf32, #tpu.memory_space<hbm>>
    tpu.enqueue_dma source(%dma_start3A_73 : memref<8x1024xf32, #tpu.memory_space<hbm>>) target(%arg14 : memref<8x1024xf32, #tpu.memory_space<vmem>>) target_semaphore(%arg24 : memref<!tpu.dma_semaphore, #tpu.memory_space<semaphore_mem>>)
    %dma_wait3A = arith.constant 0 : i32
    %dma_wait3A_74 = tpu.memref_slice %arg3[%add3A_8, %dma_wait3A] : memref<2048x1024xf32, #tpu.memory_space<hbm>> -> memref<8x1024xf32, #tpu.memory_space<hbm>>
    %dma_wait3A_75 = arith.constant 0 : i32
    %dma_wait3A_76 = tpu.memref_slice %arg3[%add3A_8, %dma_wait3A_75] : memref<2048x1024xf32, #tpu.memory_space<hbm>> -> memref<8x1024xf32, #tpu.memory_space<hbm>>
    tpu.wait_dma2 semaphore(%arg15 : memref<!tpu.dma_semaphore, #tpu.memory_space<semaphore_mem>>) src(%dma_wait3A_76 : memref<8x1024xf32, #tpu.memory_space<hbm>>) dst(%arg5 : memref<8x1024xf32, #tpu.memory_space<vmem>>)
    %dma_wait3A_77 = arith.constant 0 : i32
    %dma_wait3A_78 = arith.constant 0 : i32
    %dma_wait3A_79 = tpu.memref_slice %arg2[%dma_wait3A_77, %add3A_8, %dma_wait3A_78] : memref<4x2048x1024xf32, #tpu.memory_space<hbm>> -> memref<1x8x1024xf32, #tpu.memory_space<hbm>>
    %dma_wait3A_80 = tpu.memref_squeeze %dma_wait3A_79 : memref<1x8x1024xf32, #tpu.memory_space<hbm>> -> memref<8x1024xf32, #tpu.memory_space<hbm>>
    %dma_wait3A_81 = arith.constant 0 : i32
    %dma_wait3A_82 = tpu.memref_slice %arg2[%dma_wait3A_77, %add3A_8, %dma_wait3A_81] : memref<4x2048x1024xf32, #tpu.memory_space<hbm>> -> memref<1x8x1024xf32, #tpu.memory_space<hbm>>
    %dma_wait3A_83 = tpu.memref_squeeze %dma_wait3A_82 : memref<1x8x1024xf32, #tpu.memory_space<hbm>> -> memref<8x1024xf32, #tpu.memory_space<hbm>>
    tpu.wait_dma2 semaphore(%arg17 : memref<!tpu.dma_semaphore, #tpu.memory_space<semaphore_mem>>) src(%dma_wait3A_83 : memref<8x1024xf32, #tpu.memory_space<hbm>>) dst(%arg7 : memref<8x1024xf32, #tpu.memory_space<vmem>>)
    %dma_wait3A_84 = arith.constant 1 : i32
    %dma_wait3A_85 = arith.constant 0 : i32
    %dma_wait3A_86 = tpu.memref_slice %arg2[%dma_wait3A_84, %add3A_8, %dma_wait3A_85] : memref<4x2048x1024xf32, #tpu.memory_space<hbm>> -> memref<1x8x1024xf32, #tpu.memory_space<hbm>>
    %dma_wait3A_87 = tpu.memref_squeeze %dma_wait3A_86 : memref<1x8x1024xf32, #tpu.memory_space<hbm>> -> memref<8x1024xf32, #tpu.memory_space<hbm>>
    %dma_wait3A_88 = arith.constant 0 : i32
    %dma_wait3A_89 = tpu.memref_slice %arg2[%dma_wait3A_84, %add3A_8, %dma_wait3A_88] : memref<4x2048x1024xf32, #tpu.memory_space<hbm>> -> memref<1x8x1024xf32, #tpu.memory_space<hbm>>
    %dma_wait3A_90 = tpu.memref_squeeze %dma_wait3A_89 : memref<1x8x1024xf32, #tpu.memory_space<hbm>> -> memref<8x1024xf32, #tpu.memory_space<hbm>>
    tpu.wait_dma2 semaphore(%arg19 : memref<!tpu.dma_semaphore, #tpu.memory_space<semaphore_mem>>) src(%dma_wait3A_90 : memref<8x1024xf32, #tpu.memory_space<hbm>>) dst(%arg9 : memref<8x1024xf32, #tpu.memory_space<vmem>>)
    %dma_wait3A_91 = arith.constant 2 : i32
    %dma_wait3A_92 = arith.constant 0 : i32
    %dma_wait3A_93 = tpu.memref_slice %arg2[%dma_wait3A_91, %add3A_8, %dma_wait3A_92] : memref<4x2048x1024xf32, #tpu.memory_space<hbm>> -> memref<1x8x1024xf32, #tpu.memory_space<hbm>>
    %dma_wait3A_94 = tpu.memref_squeeze %dma_wait3A_93 : memref<1x8x1024xf32, #tpu.memory_space<hbm>> -> memref<8x1024xf32, #tpu.memory_space<hbm>>
    %dma_wait3A_95 = arith.constant 0 : i32
    %dma_wait3A_96 = tpu.memref_slice %arg2[%dma_wait3A_91, %add3A_8, %dma_wait3A_95] : memref<4x2048x1024xf32, #tpu.memory_space<hbm>> -> memref<1x8x1024xf32, #tpu.memory_space<hbm>>
    %dma_wait3A_97 = tpu.memref_squeeze %dma_wait3A_96 : memref<1x8x1024xf32, #tpu.memory_space<hbm>> -> memref<8x1024xf32, #tpu.memory_space<hbm>>
    tpu.wait_dma2 semaphore(%arg21 : memref<!tpu.dma_semaphore, #tpu.memory_space<semaphore_mem>>) src(%dma_wait3A_97 : memref<8x1024xf32, #tpu.memory_space<hbm>>) dst(%arg11 : memref<8x1024xf32, #tpu.memory_space<vmem>>)
    %dma_wait3A_98 = arith.constant 3 : i32
    %dma_wait3A_99 = arith.constant 0 : i32
    %dma_wait3A_100 = tpu.memref_slice %arg2[%dma_wait3A_98, %add3A_8, %dma_wait3A_99] : memref<4x2048x1024xf32, #tpu.memory_space<hbm>> -> memref<1x8x1024xf32, #tpu.memory_space<hbm>>
    %dma_wait3A_101 = tpu.memref_squeeze %dma_wait3A_100 : memref<1x8x1024xf32, #tpu.memory_space<hbm>> -> memref<8x1024xf32, #tpu.memory_space<hbm>>
    %dma_wait3A_102 = arith.constant 0 : i32
    %dma_wait3A_103 = tpu.memref_slice %arg2[%dma_wait3A_98, %add3A_8, %dma_wait3A_102] : memref<4x2048x1024xf32, #tpu.memory_space<hbm>> -> memref<1x8x1024xf32, #tpu.memory_space<hbm>>
    %dma_wait3A_104 = tpu.memref_squeeze %dma_wait3A_103 : memref<1x8x1024xf32, #tpu.memory_space<hbm>> -> memref<8x1024xf32, #tpu.memory_space<hbm>>
    tpu.wait_dma2 semaphore(%arg23 : memref<!tpu.dma_semaphore, #tpu.memory_space<semaphore_mem>>) src(%dma_wait3A_104 : memref<8x1024xf32, #tpu.memory_space<hbm>>) dst(%arg13 : memref<8x1024xf32, #tpu.memory_space<vmem>>)
    %parallel_loop3A = arith.constant 0 : i32
    %parallel_loop3A_105 = arith.constant 8192 : i32
    %parallel_loop3A_106 = arith.constant 16 : i32
    scf.for %parallel_loop3A_258 = %parallel_loop3A to %parallel_loop3A_105 step %parallel_loop3A_106  : i32 {
      %parallel_loop3A_259 = arith.constant 10 : i32
      %parallel_loop3A_260 = arith.shrsi %parallel_loop3A_258, %parallel_loop3A_259 : i32
      %parallel_loop3A_261 = arith.constant 1023 : i32
      %parallel_loop3A_262 = arith.andi %parallel_loop3A_258, %parallel_loop3A_261 : i32
      %parallel_loop3A_263 = tpu.assume_multiple %parallel_loop3A_262, 16 : i32
      %parallel_loop3A_264 = arith.index_cast %parallel_loop3A_260 : i32 to index
      %parallel_loop3A_265 = arith.index_cast %parallel_loop3A_263 : i32 to index
      %parallel_loop3A_266 = tpu.vector_load %arg5[%parallel_loop3A_264, %parallel_loop3A_265] {strides = array<i32>} : memref<8x1024xf32, #tpu.memory_space<vmem>>, vector<1x16xf32>,
      %parallel_loop3A_267 = vector.shape_cast %parallel_loop3A_266 : vector<1x16xf32> to vector<16xf32>
      %parallel_loop3A_268 = arith.index_cast %parallel_loop3A_260 : i32 to index
      %parallel_loop3A_269 = arith.index_cast %parallel_loop3A_263 : i32 to index
      %parallel_loop3A_270 = tpu.vector_load %arg7[%parallel_loop3A_268, %parallel_loop3A_269] {strides = array<i32>} : memref<8x1024xf32, #tpu.memory_space<vmem>>, vector<1x16xf32>,
      %parallel_loop3A_271 = vector.shape_cast %parallel_loop3A_270 : vector<1x16xf32> to vector<16xf32>
      %parallel_loop3A_272 = arith.addf %parallel_loop3A_271, %parallel_loop3A_267 : vector<16xf32>
      %parallel_loop3A_273 = arith.index_cast %parallel_loop3A_260 : i32 to index
      %parallel_loop3A_274 = arith.index_cast %parallel_loop3A_263 : i32 to index
      %parallel_loop3A_275 = tpu.vector_load %arg7[%parallel_loop3A_273, %parallel_loop3A_274] {strides = array<i32>} : memref<8x1024xf32, #tpu.memory_space<vmem>>, vector<1x16xf32>,
      %parallel_loop3A_276 = vector.shape_cast %parallel_loop3A_275 : vector<1x16xf32> to vector<16xf32>
      %parallel_loop3A_277 = vector.shape_cast %parallel_loop3A_272 : vector<16xf32> to vector<1x16xf32>
      tpu.vector_store %arg7[%parallel_loop3A_273, %parallel_loop3A_274], %parallel_loop3A_277 {strides = array<i32>} : memref<8x1024xf32, #tpu.memory_space<vmem>>, vector<1x16xf32>,
      %parallel_loop3A_278 = arith.index_cast %parallel_loop3A_260 : i32 to index
      %parallel_loop3A_279 = arith.index_cast %parallel_loop3A_263 : i32 to index
      %parallel_loop3A_280 = tpu.vector_load %arg9[%parallel_loop3A_278, %parallel_loop3A_279] {strides = array<i32>} : memref<8x1024xf32, #tpu.memory_space<vmem>>, vector<1x16xf32>,
      %parallel_loop3A_281 = vector.shape_cast %parallel_loop3A_280 : vector<1x16xf32> to vector<16xf32>
      %parallel_loop3A_282 = arith.addf %parallel_loop3A_281, %parallel_loop3A_267 : vector<16xf32>
      %parallel_loop3A_283 = arith.index_cast %parallel_loop3A_260 : i32 to index
      %parallel_loop3A_284 = arith.index_cast %parallel_loop3A_263 : i32 to index
      %parallel_loop3A_285 = tpu.vector_load %arg9[%parallel_loop3A_283, %parallel_loop3A_284] {strides = array<i32>} : memref<8x1024xf32, #tpu.memory_space<vmem>>, vector<1x16xf32>,
      %parallel_loop3A_286 = vector.shape_cast %parallel_loop3A_285 : vector<1x16xf32> to vector<16xf32>
      %parallel_loop3A_287 = vector.shape_cast %parallel_loop3A_282 : vector<16xf32> to vector<1x16xf32>
      tpu.vector_store %arg9[%parallel_loop3A_283, %parallel_loop3A_284], %parallel_loop3A_287 {strides = array<i32>} : memref<8x1024xf32, #tpu.memory_space<vmem>>, vector<1x16xf32>,
      %parallel_loop3A_288 = arith.index_cast %parallel_loop3A_260 : i32 to index
      %parallel_loop3A_289 = arith.index_cast %parallel_loop3A_263 : i32 to index
      %parallel_loop3A_290 = tpu.vector_load %arg11[%parallel_loop3A_288, %parallel_loop3A_289] {strides = array<i32>} : memref<8x1024xf32, #tpu.memory_space<vmem>>, vector<1x16xf32>,
      %parallel_loop3A_291 = vector.shape_cast %parallel_loop3A_290 : vector<1x16xf32> to vector<16xf32>
      %parallel_loop3A_292 = arith.addf %parallel_loop3A_291, %parallel_loop3A_267 : vector<16xf32>
      %parallel_loop3A_293 = arith.index_cast %parallel_loop3A_260 : i32 to index
      %parallel_loop3A_294 = arith.index_cast %parallel_loop3A_263 : i32 to index
      %parallel_loop3A_295 = tpu.vector_load %arg11[%parallel_loop3A_293, %parallel_loop3A_294] {strides = array<i32>} : memref<8x1024xf32, #tpu.memory_space<vmem>>, vector<1x16xf32>,
      %parallel_loop3A_296 = vector.shape_cast %parallel_loop3A_295 : vector<1x16xf32> to vector<16xf32>
      %parallel_loop3A_297 = vector.shape_cast %parallel_loop3A_292 : vector<16xf32> to vector<1x16xf32>
      tpu.vector_store %arg11[%parallel_loop3A_293, %parallel_loop3A_294], %parallel_loop3A_297 {strides = array<i32>} : memref<8x1024xf32, #tpu.memory_space<vmem>>, vector<1x16xf32>,
      %parallel_loop3A_298 = arith.index_cast %parallel_loop3A_260 : i32 to index
      %parallel_loop3A_299 = arith.index_cast %parallel_loop3A_263 : i32 to index
      %parallel_loop3A_300 = tpu.vector_load %arg13[%parallel_loop3A_298, %parallel_loop3A_299] {strides = array<i32>} : memref<8x1024xf32, #tpu.memory_space<vmem>>, vector<1x16xf32>,
      %parallel_loop3A_301 = vector.shape_cast %parallel_loop3A_300 : vector<1x16xf32> to vector<16xf32>
      %parallel_loop3A_302 = arith.addf %parallel_loop3A_301, %parallel_loop3A_267 : vector<16xf32>
      %parallel_loop3A_303 = arith.index_cast %parallel_loop3A_260 : i32 to index
      %parallel_loop3A_304 = arith.index_cast %parallel_loop3A_263 : i32 to index
      %parallel_loop3A_305 = tpu.vector_load %arg13[%parallel_loop3A_303, %parallel_loop3A_304] {strides = array<i32>} : memref<8x1024xf32, #tpu.memory_space<vmem>>, vector<1x16xf32>,
      %parallel_loop3A_306 = vector.shape_cast %parallel_loop3A_305 : vector<1x16xf32> to vector<16xf32>
      %parallel_loop3A_307 = vector.shape_cast %parallel_loop3A_302 : vector<16xf32> to vector<1x16xf32>
      tpu.vector_store %arg13[%parallel_loop3A_303, %parallel_loop3A_304], %parallel_loop3A_307 {strides = array<i32>} : memref<8x1024xf32, #tpu.memory_space<vmem>>, vector<1x16xf32>,
    } {sc.loop_unroll_factor = 8 : i64, sc.parallel_access}
    %add3A_107 = arith.constant 0 : i32
    %add3A_108 = arith.addi %mul3A_6, %add3A_107 : i32
    %dma_start3A_109 = arith.constant 0 : i32
    %dma_start3A_110 = arith.constant 0 : i32
    %dma_start3A_111 = tpu.memref_slice %arg4[%dma_start3A_109, %add3A_108, %dma_start3A_110] : memref<4x512x1024xf32, #tpu.memory_space<hbm>> -> memref<1x8x1024xf32, #tpu.memory_space<hbm>>
    %dma_start3A_112 = tpu.memref_squeeze %dma_start3A_111 : memref<1x8x1024xf32, #tpu.memory_space<hbm>> -> memref<8x1024xf32, #tpu.memory_space<hbm>>
    %dma_start3A_113 = arith.constant 0 : i32
    %dma_start3A_114 = tpu.memref_slice %arg4[%dma_start3A_109, %add3A_108, %dma_start3A_113] : memref<4x512x1024xf32, #tpu.memory_space<hbm>> -> memref<1x8x1024xf32, #tpu.memory_space<hbm>>
    %dma_start3A_115 = tpu.memref_squeeze %dma_start3A_114 : memref<1x8x1024xf32, #tpu.memory_space<hbm>> -> memref<8x1024xf32, #tpu.memory_space<hbm>>
    tpu.enqueue_dma source(%arg7 : memref<8x1024xf32, #tpu.memory_space<vmem>>) target(%dma_start3A_115 : memref<8x1024xf32, #tpu.memory_space<hbm>>) target_semaphore(%arg25 : memref<!tpu.dma_semaphore, #tpu.memory_space<semaphore_mem>>)
    %dma_start3A_116 = arith.constant 1 : i32
    %dma_start3A_117 = arith.constant 0 : i32
    %dma_start3A_118 = tpu.memref_slice %arg4[%dma_start3A_116, %add3A_108, %dma_start3A_117] : memref<4x512x1024xf32, #tpu.memory_space<hbm>> -> memref<1x8x1024xf32, #tpu.memory_space<hbm>>
    %dma_start3A_119 = tpu.memref_squeeze %dma_start3A_118 : memref<1x8x1024xf32, #tpu.memory_space<hbm>> -> memref<8x1024xf32, #tpu.memory_space<hbm>>
    %dma_start3A_120 = arith.constant 0 : i32
    %dma_start3A_121 = tpu.memref_slice %arg4[%dma_start3A_116, %add3A_108, %dma_start3A_120] : memref<4x512x1024xf32, #tpu.memory_space<hbm>> -> memref<1x8x1024xf32, #tpu.memory_space<hbm>>
    %dma_start3A_122 = tpu.memref_squeeze %dma_start3A_121 : memref<1x8x1024xf32, #tpu.memory_space<hbm>> -> memref<8x1024xf32, #tpu.memory_space<hbm>>
    tpu.enqueue_dma source(%arg9 : memref<8x1024xf32, #tpu.memory_space<vmem>>) target(%dma_start3A_122 : memref<8x1024xf32, #tpu.memory_space<hbm>>) target_semaphore(%arg27 : memref<!tpu.dma_semaphore, #tpu.memory_space<semaphore_mem>>)
    %dma_start3A_123 = arith.constant 2 : i32
    %dma_start3A_124 = arith.constant 0 : i32
    %dma_start3A_125 = tpu.memref_slice %arg4[%dma_start3A_123, %add3A_108, %dma_start3A_124] : memref<4x512x1024xf32, #tpu.memory_space<hbm>> -> memref<1x8x1024xf32, #tpu.memory_space<hbm>>
    %dma_start3A_126 = tpu.memref_squeeze %dma_start3A_125 : memref<1x8x1024xf32, #tpu.memory_space<hbm>> -> memref<8x1024xf32, #tpu.memory_space<hbm>>
    %dma_start3A_127 = arith.constant 0 : i32
    %dma_start3A_128 = tpu.memref_slice %arg4[%dma_start3A_123, %add3A_108, %dma_start3A_127] : memref<4x512x1024xf32, #tpu.memory_space<hbm>> -> memref<1x8x1024xf32, #tpu.memory_space<hbm>>
    %dma_start3A_129 = tpu.memref_squeeze %dma_start3A_128 : memref<1x8x1024xf32, #tpu.memory_space<hbm>> -> memref<8x1024xf32, #tpu.memory_space<hbm>>
    tpu.enqueue_dma source(%arg11 : memref<8x1024xf32, #tpu.memory_space<vmem>>) target(%dma_start3A_129 : memref<8x1024xf32, #tpu.memory_space<hbm>>) target_semaphore(%arg29 : memref<!tpu.dma_semaphore, #tpu.memory_space<semaphore_mem>>)
    %dma_start3A_130 = arith.constant 3 : i32
    %dma_start3A_131 = arith.constant 0 : i32
    %dma_start3A_132 = tpu.memref_slice %arg4[%dma_start3A_130, %add3A_108, %dma_start3A_131] : memref<4x512x1024xf32, #tpu.memory_space<hbm>> -> memref<1x8x1024xf32, #tpu.memory_space<hbm>>
    %dma_start3A_133 = tpu.memref_squeeze %dma_start3A_132 : memref<1x8x1024xf32, #tpu.memory_space<hbm>> -> memref<8x1024xf32, #tpu.memory_space<hbm>>
    %dma_start3A_134 = arith.constant 0 : i32
    %dma_start3A_135 = tpu.memref_slice %arg4[%dma_start3A_130, %add3A_108, %dma_start3A_134] : memref<4x512x1024xf32, #tpu.memory_space<hbm>> -> memref<1x8x1024xf32, #tpu.memory_space<hbm>>
    %dma_start3A_136 = tpu.memref_squeeze %dma_start3A_135 : memref<1x8x1024xf32, #tpu.memory_space<hbm>> -> memref<8x1024xf32, #tpu.memory_space<hbm>>
    tpu.enqueue_dma source(%arg13 : memref<8x1024xf32, #tpu.memory_space<vmem>>) target(%dma_start3A_136 : memref<8x1024xf32, #tpu.memory_space<hbm>>) target_semaphore(%arg31 : memref<!tpu.dma_semaphore, #tpu.memory_space<semaphore_mem>>)
    %dma_wait3A_137 = arith.constant 0 : i32
    %dma_wait3A_138 = tpu.memref_slice %arg3[%add3A_41, %dma_wait3A_137] : memref<2048x1024xf32, #tpu.memory_space<hbm>> -> memref<8x1024xf32, #tpu.memory_space<hbm>>
    %dma_wait3A_139 = arith.constant 0 : i32
    %dma_wait3A_140 = tpu.memref_slice %arg3[%add3A_41, %dma_wait3A_139] : memref<2048x1024xf32, #tpu.memory_space<hbm>> -> memref<8x1024xf32, #tpu.memory_space<hbm>>
    tpu.wait_dma2 semaphore(%arg16 : memref<!tpu.dma_semaphore, #tpu.memory_space<semaphore_mem>>) src(%dma_wait3A_140 : memref<8x1024xf32, #tpu.memory_space<hbm>>) dst(%arg6 : memref<8x1024xf32, #tpu.memory_space<vmem>>)
    %dma_wait3A_141 = arith.constant 0 : i32
    %dma_wait3A_142 = arith.constant 0 : i32
    %dma_wait3A_143 = tpu.memref_slice %arg2[%dma_wait3A_141, %add3A_41, %dma_wait3A_142] : memref<4x2048x1024xf32, #tpu.memory_space<hbm>> -> memref<1x8x1024xf32, #tpu.memory_space<hbm>>
    %dma_wait3A_144 = tpu.memref_squeeze %dma_wait3A_143 : memref<1x8x1024xf32, #tpu.memory_space<hbm>> -> memref<8x1024xf32, #tpu.memory_space<hbm>>
    %dma_wait3A_145 = arith.constant 0 : i32
    %dma_wait3A_146 = tpu.memref_slice %arg2[%dma_wait3A_141, %add3A_41, %dma_wait3A_145] : memref<4x2048x1024xf32, #tpu.memory_space<hbm>> -> memref<1x8x1024xf32, #tpu.memory_space<hbm>>
    %dma_wait3A_147 = tpu.memref_squeeze %dma_wait3A_146 : memref<1x8x1024xf32, #tpu.memory_space<hbm>> -> memref<8x1024xf32, #tpu.memory_space<hbm>>
    tpu.wait_dma2 semaphore(%arg18 : memref<!tpu.dma_semaphore, #tpu.memory_space<semaphore_mem>>) src(%dma_wait3A_147 : memref<8x1024xf32, #tpu.memory_space<hbm>>) dst(%arg8 : memref<8x1024xf32, #tpu.memory_space<vmem>>)
    %dma_wait3A_148 = arith.constant 1 : i32
    %dma_wait3A_149 = arith.constant 0 : i32
    %dma_wait3A_150 = tpu.memref_slice %arg2[%dma_wait3A_148, %add3A_41, %dma_wait3A_149] : memref<4x2048x1024xf32, #tpu.memory_space<hbm>> -> memref<1x8x1024xf32, #tpu.memory_space<hbm>>
    %dma_wait3A_151 = tpu.memref_squeeze %dma_wait3A_150 : memref<1x8x1024xf32, #tpu.memory_space<hbm>> -> memref<8x1024xf32, #tpu.memory_space<hbm>>
    %dma_wait3A_152 = arith.constant 0 : i32
    %dma_wait3A_153 = tpu.memref_slice %arg2[%dma_wait3A_148, %add3A_41, %dma_wait3A_152] : memref<4x2048x1024xf32, #tpu.memory_space<hbm>> -> memref<1x8x1024xf32, #tpu.memory_space<hbm>>
    %dma_wait3A_154 = tpu.memref_squeeze %dma_wait3A_153 : memref<1x8x1024xf32, #tpu.memory_space<hbm>> -> memref<8x1024xf32, #tpu.memory_space<hbm>>
    tpu.wait_dma2 semaphore(%arg20 : memref<!tpu.dma_semaphore, #tpu.memory_space<semaphore_mem>>) src(%dma_wait3A_154 : memref<8x1024xf32, #tpu.memory_space<hbm>>) dst(%arg10 : memref<8x1024xf32, #tpu.memory_space<vmem>>)
    %dma_wait3A_155 = arith.constant 2 : i32
    %dma_wait3A_156 = arith.constant 0 : i32
    %dma_wait3A_157 = tpu.memref_slice %arg2[%dma_wait3A_155, %add3A_41, %dma_wait3A_156] : memref<4x2048x1024xf32, #tpu.memory_space<hbm>> -> memref<1x8x1024xf32, #tpu.memory_space<hbm>>
    %dma_wait3A_158 = tpu.memref_squeeze %dma_wait3A_157 : memref<1x8x1024xf32, #tpu.memory_space<hbm>> -> memref<8x1024xf32, #tpu.memory_space<hbm>>
    %dma_wait3A_159 = arith.constant 0 : i32
    %dma_wait3A_160 = tpu.memref_slice %arg2[%dma_wait3A_155, %add3A_41, %dma_wait3A_159] : memref<4x2048x1024xf32, #tpu.memory_space<hbm>> -> memref<1x8x1024xf32, #tpu.memory_space<hbm>>
    %dma_wait3A_161 = tpu.memref_squeeze %dma_wait3A_160 : memref<1x8x1024xf32, #tpu.memory_space<hbm>> -> memref<8x1024xf32, #tpu.memory_space<hbm>>
    tpu.wait_dma2 semaphore(%arg22 : memref<!tpu.dma_semaphore, #tpu.memory_space<semaphore_mem>>) src(%dma_wait3A_161 : memref<8x1024xf32, #tpu.memory_space<hbm>>) dst(%arg12 : memref<8x1024xf32, #tpu.memory_space<vmem>>)
    %dma_wait3A_162 = arith.constant 3 : i32
    %dma_wait3A_163 = arith.constant 0 : i32
    %dma_wait3A_164 = tpu.memref_slice %arg2[%dma_wait3A_162, %add3A_41, %dma_wait3A_163] : memref<4x2048x1024xf32, #tpu.memory_space<hbm>> -> memref<1x8x1024xf32, #tpu.memory_space<hbm>>
    %dma_wait3A_165 = tpu.memref_squeeze %dma_wait3A_164 : memref<1x8x1024xf32, #tpu.memory_space<hbm>> -> memref<8x1024xf32, #tpu.memory_space<hbm>>
    %dma_wait3A_166 = arith.constant 0 : i32
    %dma_wait3A_167 = tpu.memref_slice %arg2[%dma_wait3A_162, %add3A_41, %dma_wait3A_166] : memref<4x2048x1024xf32, #tpu.memory_space<hbm>> -> memref<1x8x1024xf32, #tpu.memory_space<hbm>>
    %dma_wait3A_168 = tpu.memref_squeeze %dma_wait3A_167 : memref<1x8x1024xf32, #tpu.memory_space<hbm>> -> memref<8x1024xf32, #tpu.memory_space<hbm>>
    tpu.wait_dma2 semaphore(%arg24 : memref<!tpu.dma_semaphore, #tpu.memory_space<semaphore_mem>>) src(%dma_wait3A_168 : memref<8x1024xf32, #tpu.memory_space<hbm>>) dst(%arg14 : memref<8x1024xf32, #tpu.memory_space<vmem>>)
    %parallel_loop3A_169 = arith.constant 0 : i32
    %parallel_loop3A_170 = arith.constant 8192 : i32
    %parallel_loop3A_171 = arith.constant 16 : i32
    scf.for %parallel_loop3A_258 = %parallel_loop3A_169 to %parallel_loop3A_170 step %parallel_loop3A_171  : i32 {
      %parallel_loop3A_259 = arith.constant 10 : i32
      %parallel_loop3A_260 = arith.shrsi %parallel_loop3A_258, %parallel_loop3A_259 : i32
      %parallel_loop3A_261 = arith.constant 1023 : i32
      %parallel_loop3A_262 = arith.andi %parallel_loop3A_258, %parallel_loop3A_261 : i32
      %parallel_loop3A_263 = tpu.assume_multiple %parallel_loop3A_262, 16 : i32
      %parallel_loop3A_264 = arith.index_cast %parallel_loop3A_260 : i32 to index
      %parallel_loop3A_265 = arith.index_cast %parallel_loop3A_263 : i32 to index
      %parallel_loop3A_266 = tpu.vector_load %arg6[%parallel_loop3A_264, %parallel_loop3A_265] {strides = array<i32>} : memref<8x1024xf32, #tpu.memory_space<vmem>>, vector<1x16xf32>,
      %parallel_loop3A_267 = vector.shape_cast %parallel_loop3A_266 : vector<1x16xf32> to vector<16xf32>
      %parallel_loop3A_268 = arith.index_cast %parallel_loop3A_260 : i32 to index
      %parallel_loop3A_269 = arith.index_cast %parallel_loop3A_263 : i32 to index
      %parallel_loop3A_270 = tpu.vector_load %arg8[%parallel_loop3A_268, %parallel_loop3A_269] {strides = array<i32>} : memref<8x1024xf32, #tpu.memory_space<vmem>>, vector<1x16xf32>,
      %parallel_loop3A_271 = vector.shape_cast %parallel_loop3A_270 : vector<1x16xf32> to vector<16xf32>
      %parallel_loop3A_272 = arith.addf %parallel_loop3A_271, %parallel_loop3A_267 : vector<16xf32>
      %parallel_loop3A_273 = arith.index_cast %parallel_loop3A_260 : i32 to index
      %parallel_loop3A_274 = arith.index_cast %parallel_loop3A_263 : i32 to index
      %parallel_loop3A_275 = tpu.vector_load %arg8[%parallel_loop3A_273, %parallel_loop3A_274] {strides = array<i32>} : memref<8x1024xf32, #tpu.memory_space<vmem>>, vector<1x16xf32>,
      %parallel_loop3A_276 = vector.shape_cast %parallel_loop3A_275 : vector<1x16xf32> to vector<16xf32>
      %parallel_loop3A_277 = vector.shape_cast %parallel_loop3A_272 : vector<16xf32> to vector<1x16xf32>
      tpu.vector_store %arg8[%parallel_loop3A_273, %parallel_loop3A_274], %parallel_loop3A_277 {strides = array<i32>} : memref<8x1024xf32, #tpu.memory_space<vmem>>, vector<1x16xf32>,
      %parallel_loop3A_278 = arith.index_cast %parallel_loop3A_260 : i32 to index
      %parallel_loop3A_279 = arith.index_cast %parallel_loop3A_263 : i32 to index
      %parallel_loop3A_280 = tpu.vector_load %arg10[%parallel_loop3A_278, %parallel_loop3A_279] {strides = array<i32>} : memref<8x1024xf32, #tpu.memory_space<vmem>>, vector<1x16xf32>,
      %parallel_loop3A_281 = vector.shape_cast %parallel_loop3A_280 : vector<1x16xf32> to vector<16xf32>
      %parallel_loop3A_282 = arith.addf %parallel_loop3A_281, %parallel_loop3A_267 : vector<16xf32>
      %parallel_loop3A_283 = arith.index_cast %parallel_loop3A_260 : i32 to index
      %parallel_loop3A_284 = arith.index_cast %parallel_loop3A_263 : i32 to index
      %parallel_loop3A_285 = tpu.vector_load %arg10[%parallel_loop3A_283, %parallel_loop3A_284] {strides = array<i32>} : memref<8x1024xf32, #tpu.memory_space<vmem>>, vector<1x16xf32>,
      %parallel_loop3A_286 = vector.shape_cast %parallel_loop3A_285 : vector<1x16xf32> to vector<16xf32>
      %parallel_loop3A_287 = vector.shape_cast %parallel_loop3A_282 : vector<16xf32> to vector<1x16xf32>
      tpu.vector_store %arg10[%parallel_loop3A_283, %parallel_loop3A_284], %parallel_loop3A_287 {strides = array<i32>} : memref<8x1024xf32, #tpu.memory_space<vmem>>, vector<1x16xf32>,
      %parallel_loop3A_288 = arith.index_cast %parallel_loop3A_260 : i32 to index
      %parallel_loop3A_289 = arith.index_cast %parallel_loop3A_263 : i32 to index
      %parallel_loop3A_290 = tpu.vector_load %arg12[%parallel_loop3A_288, %parallel_loop3A_289] {strides = array<i32>} : memref<8x1024xf32, #tpu.memory_space<vmem>>, vector<1x16xf32>,
      %parallel_loop3A_291 = vector.shape_cast %parallel_loop3A_290 : vector<1x16xf32> to vector<16xf32>
      %parallel_loop3A_292 = arith.addf %parallel_loop3A_291, %parallel_loop3A_267 : vector<16xf32>
      %parallel_loop3A_293 = arith.index_cast %parallel_loop3A_260 : i32 to index
      %parallel_loop3A_294 = arith.index_cast %parallel_loop3A_263 : i32 to index
      %parallel_loop3A_295 = tpu.vector_load %arg12[%parallel_loop3A_293, %parallel_loop3A_294] {strides = array<i32>} : memref<8x1024xf32, #tpu.memory_space<vmem>>, vector<1x16xf32>,
      %parallel_loop3A_296 = vector.shape_cast %parallel_loop3A_295 : vector<1x16xf32> to vector<16xf32>
      %parallel_loop3A_297 = vector.shape_cast %parallel_loop3A_292 : vector<16xf32> to vector<1x16xf32>
      tpu.vector_store %arg12[%parallel_loop3A_293, %parallel_loop3A_294], %parallel_loop3A_297 {strides = array<i32>} : memref<8x1024xf32, #tpu.memory_space<vmem>>, vector<1x16xf32>,
      %parallel_loop3A_298 = arith.index_cast %parallel_loop3A_260 : i32 to index
      %parallel_loop3A_299 = arith.index_cast %parallel_loop3A_263 : i32 to index
      %parallel_loop3A_300 = tpu.vector_load %arg14[%parallel_loop3A_298, %parallel_loop3A_299] {strides = array<i32>} : memref<8x1024xf32, #tpu.memory_space<vmem>>, vector<1x16xf32>,
      %parallel_loop3A_301 = vector.shape_cast %parallel_loop3A_300 : vector<1x16xf32> to vector<16xf32>
      %parallel_loop3A_302 = arith.addf %parallel_loop3A_301, %parallel_loop3A_267 : vector<16xf32>
      %parallel_loop3A_303 = arith.index_cast %parallel_loop3A_260 : i32 to index
      %parallel_loop3A_304 = arith.index_cast %parallel_loop3A_263 : i32 to index
      %parallel_loop3A_305 = tpu.vector_load %arg14[%parallel_loop3A_303, %parallel_loop3A_304] {strides = array<i32>} : memref<8x1024xf32, #tpu.memory_space<vmem>>, vector<1x16xf32>,
      %parallel_loop3A_306 = vector.shape_cast %parallel_loop3A_305 : vector<1x16xf32> to vector<16xf32>
      %parallel_loop3A_307 = vector.shape_cast %parallel_loop3A_302 : vector<16xf32> to vector<1x16xf32>
      tpu.vector_store %arg14[%parallel_loop3A_303, %parallel_loop3A_304], %parallel_loop3A_307 {strides = array<i32>} : memref<8x1024xf32, #tpu.memory_space<vmem>>, vector<1x16xf32>,
    } {sc.loop_unroll_factor = 8 : i64, sc.parallel_access}
    %add3A_172 = arith.constant 8 : i32
    %add3A_173 = arith.addi %mul3A_6, %add3A_172 : i32
    %dma_start3A_174 = arith.constant 0 : i32
    %dma_start3A_175 = arith.constant 0 : i32
    %dma_start3A_176 = tpu.memref_slice %arg4[%dma_start3A_174, %add3A_173, %dma_start3A_175] : memref<4x512x1024xf32, #tpu.memory_space<hbm>> -> memref<1x8x1024xf32, #tpu.memory_space<hbm>>
    %dma_start3A_177 = tpu.memref_squeeze %dma_start3A_176 : memref<1x8x1024xf32, #tpu.memory_space<hbm>> -> memref<8x1024xf32, #tpu.memory_space<hbm>>
    %dma_start3A_178 = arith.constant 0 : i32
    %dma_start3A_179 = tpu.memref_slice %arg4[%dma_start3A_174, %add3A_173, %dma_start3A_178] : memref<4x512x1024xf32, #tpu.memory_space<hbm>> -> memref<1x8x1024xf32, #tpu.memory_space<hbm>>
    %dma_start3A_180 = tpu.memref_squeeze %dma_start3A_179 : memref<1x8x1024xf32, #tpu.memory_space<hbm>> -> memref<8x1024xf32, #tpu.memory_space<hbm>>
    tpu.enqueue_dma source(%arg8 : memref<8x1024xf32, #tpu.memory_space<vmem>>) target(%dma_start3A_180 : memref<8x1024xf32, #tpu.memory_space<hbm>>) target_semaphore(%arg26 : memref<!tpu.dma_semaphore, #tpu.memory_space<semaphore_mem>>)
    %dma_start3A_181 = arith.constant 1 : i32
    %dma_start3A_182 = arith.constant 0 : i32
    %dma_start3A_183 = tpu.memref_slice %arg4[%dma_start3A_181, %add3A_173, %dma_start3A_182] : memref<4x512x1024xf32, #tpu.memory_space<hbm>> -> memref<1x8x1024xf32, #tpu.memory_space<hbm>>
    %dma_start3A_184 = tpu.memref_squeeze %dma_start3A_183 : memref<1x8x1024xf32, #tpu.memory_space<hbm>> -> memref<8x1024xf32, #tpu.memory_space<hbm>>
    %dma_start3A_185 = arith.constant 0 : i32
    %dma_start3A_186 = tpu.memref_slice %arg4[%dma_start3A_181, %add3A_173, %dma_start3A_185] : memref<4x512x1024xf32, #tpu.memory_space<hbm>> -> memref<1x8x1024xf32, #tpu.memory_space<hbm>>
    %dma_start3A_187 = tpu.memref_squeeze %dma_start3A_186 : memref<1x8x1024xf32, #tpu.memory_space<hbm>> -> memref<8x1024xf32, #tpu.memory_space<hbm>>
    tpu.enqueue_dma source(%arg10 : memref<8x1024xf32, #tpu.memory_space<vmem>>) target(%dma_start3A_187 : memref<8x1024xf32, #tpu.memory_space<hbm>>) target_semaphore(%arg28 : memref<!tpu.dma_semaphore, #tpu.memory_space<semaphore_mem>>)
    %dma_start3A_188 = arith.constant 2 : i32
    %dma_start3A_189 = arith.constant 0 : i32
    %dma_start3A_190 = tpu.memref_slice %arg4[%dma_start3A_188, %add3A_173, %dma_start3A_189] : memref<4x512x1024xf32, #tpu.memory_space<hbm>> -> memref<1x8x1024xf32, #tpu.memory_space<hbm>>
    %dma_start3A_191 = tpu.memref_squeeze %dma_start3A_190 : memref<1x8x1024xf32, #tpu.memory_space<hbm>> -> memref<8x1024xf32, #tpu.memory_space<hbm>>
    %dma_start3A_192 = arith.constant 0 : i32
    %dma_start3A_193 = tpu.memref_slice %arg4[%dma_start3A_188, %add3A_173, %dma_start3A_192] : memref<4x512x1024xf32, #tpu.memory_space<hbm>> -> memref<1x8x1024xf32, #tpu.memory_space<hbm>>
    %dma_start3A_194 = tpu.memref_squeeze %dma_start3A_193 : memref<1x8x1024xf32, #tpu.memory_space<hbm>> -> memref<8x1024xf32, #tpu.memory_space<hbm>>
    tpu.enqueue_dma source(%arg12 : memref<8x1024xf32, #tpu.memory_space<vmem>>) target(%dma_start3A_194 : memref<8x1024xf32, #tpu.memory_space<hbm>>) target_semaphore(%arg30 : memref<!tpu.dma_semaphore, #tpu.memory_space<semaphore_mem>>)
    %dma_start3A_195 = arith.constant 3 : i32
    %dma_start3A_196 = arith.constant 0 : i32
    %dma_start3A_197 = tpu.memref_slice %arg4[%dma_start3A_195, %add3A_173, %dma_start3A_196] : memref<4x512x1024xf32, #tpu.memory_space<hbm>> -> memref<1x8x1024xf32, #tpu.memory_space<hbm>>
    %dma_start3A_198 = tpu.memref_squeeze %dma_start3A_197 : memref<1x8x1024xf32, #tpu.memory_space<hbm>> -> memref<8x1024xf32, #tpu.memory_space<hbm>>
    %dma_start3A_199 = arith.constant 0 : i32
    %dma_start3A_200 = tpu.memref_slice %arg4[%dma_start3A_195, %add3A_173, %dma_start3A_199] : memref<4x512x1024xf32, #tpu.memory_space<hbm>> -> memref<1x8x1024xf32, #tpu.memory_space<hbm>>
    %dma_start3A_201 = tpu.memref_squeeze %dma_start3A_200 : memref<1x8x1024xf32, #tpu.memory_space<hbm>> -> memref<8x1024xf32, #tpu.memory_space<hbm>>
    tpu.enqueue_dma source(%arg14 : memref<8x1024xf32, #tpu.memory_space<vmem>>) target(%dma_start3A_201 : memref<8x1024xf32, #tpu.memory_space<hbm>>) target_semaphore(%arg32 : memref<!tpu.dma_semaphore, #tpu.memory_space<semaphore_mem>>)
    %dma_wait3A_202 = arith.constant 0 : i32
    %dma_wait3A_203 = arith.constant 0 : i32
    %dma_wait3A_204 = tpu.memref_slice %arg4[%dma_wait3A_202, %add3A_108, %dma_wait3A_203] : memref<4x512x1024xf32, #tpu.memory_space<hbm>> -> memref<1x8x1024xf32, #tpu.memory_space<hbm>>
    %dma_wait3A_205 = tpu.memref_squeeze %dma_wait3A_204 : memref<1x8x1024xf32, #tpu.memory_space<hbm>> -> memref<8x1024xf32, #tpu.memory_space<hbm>>
    %dma_wait3A_206 = arith.constant 0 : i32
    %dma_wait3A_207 = tpu.memref_slice %arg4[%dma_wait3A_202, %add3A_108, %dma_wait3A_206] : memref<4x512x1024xf32, #tpu.memory_space<hbm>> -> memref<1x8x1024xf32, #tpu.memory_space<hbm>>
    %dma_wait3A_208 = tpu.memref_squeeze %dma_wait3A_207 : memref<1x8x1024xf32, #tpu.memory_space<hbm>> -> memref<8x1024xf32, #tpu.memory_space<hbm>>
    tpu.wait_dma2 semaphore(%arg25 : memref<!tpu.dma_semaphore, #tpu.memory_space<semaphore_mem>>) src(%arg7 : memref<8x1024xf32, #tpu.memory_space<vmem>>) dst(%dma_wait3A_208 : memref<8x1024xf32, #tpu.memory_space<hbm>>)
    %dma_wait3A_209 = arith.constant 1 : i32
    %dma_wait3A_210 = arith.constant 0 : i32
    %dma_wait3A_211 = tpu.memref_slice %arg4[%dma_wait3A_209, %add3A_108, %dma_wait3A_210] : memref<4x512x1024xf32, #tpu.memory_space<hbm>> -> memref<1x8x1024xf32, #tpu.memory_space<hbm>>
    %dma_wait3A_212 = tpu.memref_squeeze %dma_wait3A_211 : memref<1x8x1024xf32, #tpu.memory_space<hbm>> -> memref<8x1024xf32, #tpu.memory_space<hbm>>
    %dma_wait3A_213 = arith.constant 0 : i32
    %dma_wait3A_214 = tpu.memref_slice %arg4[%dma_wait3A_209, %add3A_108, %dma_wait3A_213] : memref<4x512x1024xf32, #tpu.memory_space<hbm>> -> memref<1x8x1024xf32, #tpu.memory_space<hbm>>
    %dma_wait3A_215 = tpu.memref_squeeze %dma_wait3A_214 : memref<1x8x1024xf32, #tpu.memory_space<hbm>> -> memref<8x1024xf32, #tpu.memory_space<hbm>>
    tpu.wait_dma2 semaphore(%arg27 : memref<!tpu.dma_semaphore, #tpu.memory_space<semaphore_mem>>) src(%arg9 : memref<8x1024xf32, #tpu.memory_space<vmem>>) dst(%dma_wait3A_215 : memref<8x1024xf32, #tpu.memory_space<hbm>>)
    %dma_wait3A_216 = arith.constant 2 : i32
    %dma_wait3A_217 = arith.constant 0 : i32
    %dma_wait3A_218 = tpu.memref_slice %arg4[%dma_wait3A_216, %add3A_108, %dma_wait3A_217] : memref<4x512x1024xf32, #tpu.memory_space<hbm>> -> memref<1x8x1024xf32, #tpu.memory_space<hbm>>
    %dma_wait3A_219 = tpu.memref_squeeze %dma_wait3A_218 : memref<1x8x1024xf32, #tpu.memory_space<hbm>> -> memref<8x1024xf32, #tpu.memory_space<hbm>>
    %dma_wait3A_220 = arith.constant 0 : i32
    %dma_wait3A_221 = tpu.memref_slice %arg4[%dma_wait3A_216, %add3A_108, %dma_wait3A_220] : memref<4x512x1024xf32, #tpu.memory_space<hbm>> -> memref<1x8x1024xf32, #tpu.memory_space<hbm>>
    %dma_wait3A_222 = tpu.memref_squeeze %dma_wait3A_221 : memref<1x8x1024xf32, #tpu.memory_space<hbm>> -> memref<8x1024xf32, #tpu.memory_space<hbm>>
    tpu.wait_dma2 semaphore(%arg29 : memref<!tpu.dma_semaphore, #tpu.memory_space<semaphore_mem>>) src(%arg11 : memref<8x1024xf32, #tpu.memory_space<vmem>>) dst(%dma_wait3A_222 : memref<8x1024xf32, #tpu.memory_space<hbm>>)
    %dma_wait3A_223 = arith.constant 3 : i32
    %dma_wait3A_224 = arith.constant 0 : i32
    %dma_wait3A_225 = tpu.memref_slice %arg4[%dma_wait3A_223, %add3A_108, %dma_wait3A_224] : memref<4x512x1024xf32, #tpu.memory_space<hbm>> -> memref<1x8x1024xf32, #tpu.memory_space<hbm>>
    %dma_wait3A_226 = tpu.memref_squeeze %dma_wait3A_225 : memref<1x8x1024xf32, #tpu.memory_space<hbm>> -> memref<8x1024xf32, #tpu.memory_space<hbm>>
    %dma_wait3A_227 = arith.constant 0 : i32
    %dma_wait3A_228 = tpu.memref_slice %arg4[%dma_wait3A_223, %add3A_108, %dma_wait3A_227] : memref<4x512x1024xf32, #tpu.memory_space<hbm>> -> memref<1x8x1024xf32, #tpu.memory_space<hbm>>
    %dma_wait3A_229 = tpu.memref_squeeze %dma_wait3A_228 : memref<1x8x1024xf32, #tpu.memory_space<hbm>> -> memref<8x1024xf32, #tpu.memory_space<hbm>>
    tpu.wait_dma2 semaphore(%arg31 : memref<!tpu.dma_semaphore, #tpu.memory_space<semaphore_mem>>) src(%arg13 : memref<8x1024xf32, #tpu.memory_space<vmem>>) dst(%dma_wait3A_229 : memref<8x1024xf32, #tpu.memory_space<hbm>>)
    %dma_wait3A_230 = arith.constant 0 : i32
    %dma_wait3A_231 = arith.constant 0 : i32
    %dma_wait3A_232 = tpu.memref_slice %arg4[%dma_wait3A_230, %add3A_173, %dma_wait3A_231] : memref<4x512x1024xf32, #tpu.memory_space<hbm>> -> memref<1x8x1024xf32, #tpu.memory_space<hbm>>
    %dma_wait3A_233 = tpu.memref_squeeze %dma_wait3A_232 : memref<1x8x1024xf32, #tpu.memory_space<hbm>> -> memref<8x1024xf32, #tpu.memory_space<hbm>>
    %dma_wait3A_234 = arith.constant 0 : i32
    %dma_wait3A_235 = tpu.memref_slice %arg4[%dma_wait3A_230, %add3A_173, %dma_wait3A_234] : memref<4x512x1024xf32, #tpu.memory_space<hbm>> -> memref<1x8x1024xf32, #tpu.memory_space<hbm>>
    %dma_wait3A_236 = tpu.memref_squeeze %dma_wait3A_235 : memref<1x8x1024xf32, #tpu.memory_space<hbm>> -> memref<8x1024xf32, #tpu.memory_space<hbm>>
    tpu.wait_dma2 semaphore(%arg26 : memref<!tpu.dma_semaphore, #tpu.memory_space<semaphore_mem>>) src(%arg8 : memref<8x1024xf32, #tpu.memory_space<vmem>>) dst(%dma_wait3A_236 : memref<8x1024xf32, #tpu.memory_space<hbm>>)
    %dma_wait3A_237 = arith.constant 1 : i32
    %dma_wait3A_238 = arith.constant 0 : i32
    %dma_wait3A_239 = tpu.memref_slice %arg4[%dma_wait3A_237, %add3A_173, %dma_wait3A_238] : memref<4x512x1024xf32, #tpu.memory_space<hbm>> -> memref<1x8x1024xf32, #tpu.memory_space<hbm>>
    %dma_wait3A_240 = tpu.memref_squeeze %dma_wait3A_239 : memref<1x8x1024xf32, #tpu.memory_space<hbm>> -> memref<8x1024xf32, #tpu.memory_space<hbm>>
    %dma_wait3A_241 = arith.constant 0 : i32
    %dma_wait3A_242 = tpu.memref_slice %arg4[%dma_wait3A_237, %add3A_173, %dma_wait3A_241] : memref<4x512x1024xf32, #tpu.memory_space<hbm>> -> memref<1x8x1024xf32, #tpu.memory_space<hbm>>
    %dma_wait3A_243 = tpu.memref_squeeze %dma_wait3A_242 : memref<1x8x1024xf32, #tpu.memory_space<hbm>> -> memref<8x1024xf32, #tpu.memory_space<hbm>>
    tpu.wait_dma2 semaphore(%arg28 : memref<!tpu.dma_semaphore, #tpu.memory_space<semaphore_mem>>) src(%arg10 : memref<8x1024xf32, #tpu.memory_space<vmem>>) dst(%dma_wait3A_243 : memref<8x1024xf32, #tpu.memory_space<hbm>>)
    %dma_wait3A_244 = arith.constant 2 : i32
    %dma_wait3A_245 = arith.constant 0 : i32
    %dma_wait3A_246 = tpu.memref_slice %arg4[%dma_wait3A_244, %add3A_173, %dma_wait3A_245] : memref<4x512x1024xf32, #tpu.memory_space<hbm>> -> memref<1x8x1024xf32, #tpu.memory_space<hbm>>
    %dma_wait3A_247 = tpu.memref_squeeze %dma_wait3A_246 : memref<1x8x1024xf32, #tpu.memory_space<hbm>> -> memref<8x1024xf32, #tpu.memory_space<hbm>>
    %dma_wait3A_248 = arith.constant 0 : i32
    %dma_wait3A_249 = tpu.memref_slice %arg4[%dma_wait3A_244, %add3A_173, %dma_wait3A_248] : memref<4x512x1024xf32, #tpu.memory_space<hbm>> -> memref<1x8x1024xf32, #tpu.memory_space<hbm>>
    %dma_wait3A_250 = tpu.memref_squeeze %dma_wait3A_249 : memref<1x8x1024xf32, #tpu.memory_space<hbm>> -> memref<8x1024xf32, #tpu.memory_space<hbm>>
    tpu.wait_dma2 semaphore(%arg30 : memref<!tpu.dma_semaphore, #tpu.memory_space<semaphore_mem>>) src(%arg12 : memref<8x1024xf32, #tpu.memory_space<vmem>>) dst(%dma_wait3A_250 : memref<8x1024xf32, #tpu.memory_space<hbm>>)
    %dma_wait3A_251 = arith.constant 3 : i32
    %dma_wait3A_252 = arith.constant 0 : i32
    %dma_wait3A_253 = tpu.memref_slice %arg4[%dma_wait3A_251, %add3A_173, %dma_wait3A_252] : memref<4x512x1024xf32, #tpu.memory_space<hbm>> -> memref<1x8x1024xf32, #tpu.memory_space<hbm>>
    %dma_wait3A_254 = tpu.memref_squeeze %dma_wait3A_253 : memref<1x8x1024xf32, #tpu.memory_space<hbm>> -> memref<8x1024xf32, #tpu.memory_space<hbm>>
    %dma_wait3A_255 = arith.constant 0 : i32
    %dma_wait3A_256 = tpu.memref_slice %arg4[%dma_wait3A_251, %add3A_173, %dma_wait3A_255] : memref<4x512x1024xf32, #tpu.memory_space<hbm>> -> memref<1x8x1024xf32, #tpu.memory_space<hbm>>
    %dma_wait3A_257 = tpu.memref_squeeze %dma_wait3A_256 : memref<1x8x1024xf32, #tpu.memory_space<hbm>> -> memref<8x1024xf32, #tpu.memory_space<hbm>>
    tpu.wait_dma2 semaphore(%arg32 : memref<!tpu.dma_semaphore, #tpu.memory_space<semaphore_mem>>) src(%arg14 : memref<8x1024xf32, #tpu.memory_space<vmem>>) dst(%dma_wait3A_257 : memref<8x1024xf32, #tpu.memory_space<hbm>>)
    return
  }
}

module attributes {stable_mosaic.version = 14 : i64} {
  func.func @_tc_body(%arg0: i32, %arg1: i32, %arg2: memref<1x1536x1024xf32, #tpu.memory_space<vmem>>, %arg3: memref<1536x1024xf32, #tpu.memory_space<vmem>>, %arg4: memref<1x1536x1024xf32, #tpu.memory_space<vmem>>) attributes {dimension_semantics = [#tpu.dimension_semantics<arbitrary>, #tpu.dimension_semantics<arbitrary>], iteration_bounds = array<i64: 1, 4>, scalar_prefetch = 0 : i64, scratch_operands = 0 : i64, tpu.core_type = #tpu.core_type<tc>, window_params = [{transform_indices = @transform_0, window_bounds = array<i64: 1, 1536, 1024>}, {transform_indices = @transform_1, window_bounds = array<i64: 1536, 1024>}, {transform_indices = @transform_2, window_bounds = array<i64: 1, 1536, 1024>}]} {
    %get3A = arith.constant 0 : index
    %get3A_0 = arith.constant 0 : index
    %get3A_1 = arith.constant 0 : index
    %get3A_2 = vector.load %arg2[%get3A, %get3A_0, %get3A_1] : memref<1x1536x1024xf32, #tpu.memory_space<vmem>>, vector<1x1536x1024xf32>
    %get3A_3 = arith.constant 0 : index
    %get3A_4 = arith.constant 0 : index
    %get3A_5 = vector.load %arg3[%get3A_3, %get3A_4] : memref<1536x1024xf32, #tpu.memory_space<vmem>>, vector<1536x1024xf32>
    %broadcast_in_dim3A = vector.shape_cast %get3A_5 : vector<1536x1024xf32> to vector<1x1536x1024xf32>
    %add3A = arith.addf %get3A_2, %broadcast_in_dim3A : vector<1x1536x1024xf32>
    %swap3A = arith.constant 0 : index
    %swap3A_6 = arith.constant 0 : index
    %swap3A_7 = arith.constant 0 : index
    %swap3A_8 = vector.load %arg4[%swap3A, %swap3A_6, %swap3A_7] : memref<1x1536x1024xf32, #tpu.memory_space<vmem>>, vector<1x1536x1024xf32>
    tpu.vector_store %arg4[%swap3A, %swap3A_6, %swap3A_7], %add3A {strides = array<i32>} : memref<1x1536x1024xf32, #tpu.memory_space<vmem>>, vector<1x1536x1024xf32>,
    return
  }
  func.func @transform_0(%arg0: i32, %arg1: i32) -> (i32, i32, i32) {
    %c0_i32 = arith.constant 0 : i32
    %c0_i32_0 = arith.constant 0 : i32
    return %arg1, %arg0, %c0_i32 : i32, i32, i32
  }
  func.func @transform_1(%arg0: i32, %arg1: i32) -> (i32, i32) {
    %c0_i32 = arith.constant 0 : i32
    %c0_i32_0 = arith.constant 0 : i32
    return %arg0, %c0_i32 : i32, i32
  }
  func.func @transform_2(%arg0: i32, %arg1: i32) -> (i32, i32, i32) {
    %c0_i32 = arith.constant 0 : i32
    %c0_i32_0 = arith.constant 0 : i32
    return %arg1, %arg0, %c0_i32 : i32, i32, i32
  }
}

</mosaic_0001>

<sc_bundles>
// kernel: kernel.4.cloned.1.call-start
scs
__scs_entry_jumppad:
0x0: {  	(pc) =	sbr.rel $0x88, $3  }
0x1: {  	(tag) =	ssettag $0x0;
	lr =	simm.s32 $0x1  }
0x2: {  	[smem:$0x3F9F] =	sst lr;
	_ =	strace $0xD0000000  }
0x3: {  	_ = 	snop  }
0x4: {  	_ = 	snop  }
0x5: {  	_ = 	snop  }
0x6: {  	_ = 	snop  }
0x7: {  	_ = 	snop  }
__scs_overlays_trampoline_lowered:
0x8: {  	[smem:$0x3FAE] =	sst s0  }
0x9: {  	[smem:$0x3FAF] =	sst s1  }
0xa: {  	[smem:$0x3FB0] =	sst s2  }
0xb: {  	[smem:$0x3FB1] =	sst s3  }
0xc: {  	[smem:$0x3FB2] =	sst s4  }
0xd: {  	[smem:$0x3FB3] =	sst s5  }
0xe: {  	[smem:$0x3FB4] =	sst s6  }
0xf: {  	[smem:$0x3FB5] =	sst s7  }
0x10: {  	[smem:$0x3FB6] =	sst s8  }
0x11: {  	[smem:$0x3FB7] =	sst s9;
	s0 =	simm.s32 @!p0 $0x0  }
0x12: {  	s1 =	sld [smem:$0x3F9D];
	s0 =	simm.s32 @p0 $0x1  }
0x13: {  	[smem:$0x3FB8] =	sst s0;
	s0 =	simm.s32 @!p1 $0x0  }
0x14: {  	s2 =	sld [smem:$0x3F9C];
	s0 =	simm.s32 @p1 $0x1  }
0x15: {  	[smem:$0x3FB9] =	sst s0;
	s0 =	simm.s32 @!p2 $0x0  }
0x16: {  	s3 =	sld [smem:$0x3FDB];
	s0 =	simm.s32 @p2 $0x1  }
0x17: {  	s4 =	simm.s32 $0x1BF5;
	[smem:$0x3FBB] =	sst s0  }
0x18: {  	s0 =	sld [smem:$0x3F9E];
	_ =	swait.ge [sflag:s4], $0x0  }
0x19: {  	s7 =	sld [smem:$0x3F9F]  }
0x1a: {  	s8 =	sadd.s32 $0xFFFFE003, lr  }
0x1b: {  	s9 =	sadd.s32 $0xFFFFFEF7, lr;
	s5 =	simm.s32 $0xFFFFFFFF;
	p2 =	slt.u32 s8, $0xFFFFF086  }
0x1c: {  	p1 =	slt.u32 s9, $0xF7A;
	s5 =	simm.s32 @!p2 $0x0  }
0x1d: {  	s5 =	simm.s32 @p1 $0x1;
	p0 =	seq.s32 s7, s2  }
0x1e: {  	s7 =	smul.u32 @!p0 $0xF7A, s2;
	p2 =	seq.s32 @!p0 s5, $0x0  }
0x1f: {  	s9 =	smul.u32 $0xF7A, s1;
	s8 =	simm.s32 @!p0 $0x1BF5;
	p2 =	por !p2, p0  }
0x20: {  	[sflag:s8] =	ssyncset.s32 @!p0 $0xFFFFF086;
	s6 =	sadd.s32 @!p0 s3, s7;
	s7 =	simm.s32 @!p0 $0x108  }
0x21: {  	s3 =	sadd.s32 s3, s9;
	s6 =	sadd.s32 @!p0 $0x88, s6;
	s7 =	simm.s32 @p2 $0x1082  }
0x22: {  	[simem:s7], [sflag:s8] =	dma.local @!p0 [hbm:s6], $0xF7A  }
0x23: {  	s9 =	sor.u32 $0xD0000000, s2;
	s6 =	simm.s32 $0x108;
	_ =	swait.ge @!p0 [sflag:s8], $0x0  }
0x24: {  	s3 =	sadd.s32 $0x88, s3;
	s6 =	simm.s32 @!p1 $0x1082;
	[sflag:s4] =	ssyncset.s32 $0xFFFFF086  }
0x25: {  	[simem:s6], [sflag:s4] =	dma.local [hbm:s3], $0xF7A  }
0x26: {  	[smem:$0x3F9F] =	sst s1;
	(tag) =	ssettag s2;
	_ =	strace s9  }
0x27: {  	s1 =	sld [smem:$0x3FAF]  }
0x28: {  	s2 =	sld [smem:$0x3FB0]  }
0x29: {  	s4 =	sld [smem:$0x3FB2]  }
0x2a: {  	p0 =	seq.s32 s5, $0x0;
	s5 =	sld [smem:$0x3FB3]  }
0x2b: {  	s6 =	sld [smem:$0x3FB4]  }
0x2c: {  	s7 =	sld [smem:$0x3FB5]  }
0x2d: {  	s3 =	simm.s32 $0x108;
	s8 =	sld [smem:$0x3FB6]  }
0x2e: {  	s3 =	simm.s32 @!p0 $0x1082;
	s9 =	sld [smem:$0x3FB7]  }
0x2f: {  	lr =	sadd.s32 s0, s3;
	s0 =	sld [smem:$0x3FAE]  }
0x30: {  	s3 =	sld [smem:$0x3FB1]  }
0x31: {  	[smem:$0x3FBA] =	sst s10  }
0x32: {  	s10 =	sld [smem:$0x3FB8];
	_ =	sdelay $0x3  }
0x33: {  	p0 =	seq.s32 s10, $0x1;
	s10 =	sld [smem:$0x3FBA];
	_ =	sdelay $0x3  }
0x34: {  	[smem:$0x3FBA] =	sst s10  }
0x35: {  	s10 =	sld [smem:$0x3FB9];
	_ =	sdelay $0x3  }
0x36: {  	p1 =	seq.s32 s10, $0x1;
	s10 =	sld [smem:$0x3FBA];
	_ =	sdelay $0x3  }
0x37: {  	[smem:$0x3FBA] =	sst s10  }
0x38: {  	s10 =	sld [smem:$0x3FBB]  }
0x39: {  	_ = 	snop;
	(pc) =	sbr.ind lr, $3  }
0x3a: {  	_ = 	snop  }
0x3b: {  	_ = 	snop  }
0x3c: {  	p2 =	seq.s32 s10, $0x1;
	s10 =	sld [smem:$0x3FBA]  }
0x3d: {  	_ =	shalt  }
0x3e: {  	_ =	shalt  }
0x3f: {  	_ =	shalt  }
0x40: {  	_ =	shalt  }
0x41: {  	_ =	shalt  }
0x42: {  	_ =	shalt  }
0x43: {  	_ =	shalt  }
0x44: {  	_ =	shalt  }
0x45: {  	_ =	shalt  }
0x46: {  	_ =	shalt  }
0x47: {  	_ =	shalt  }
0x48: {  	_ =	shalt  }
0x49: {  	_ =	shalt  }
0x4a: {  	_ =	shalt  }
0x4b: {  	_ =	shalt  }
0x4c: {  	_ =	shalt  }
0x4d: {  	_ =	shalt  }
0x4e: {  	_ =	shalt  }
0x4f: {  	_ =	shalt  }
0x50: {  	_ =	shalt  }
0x51: {  	_ =	shalt  }
0x52: {  	_ =	shalt  }
0x53: {  	_ =	shalt  }
0x54: {  	_ =	shalt  }
0x55: {  	_ =	shalt  }
0x56: {  	_ =	shalt  }
0x57: {  	_ =	shalt  }
0x58: {  	_ =	shalt  }
0x59: {  	_ =	shalt  }
0x5a: {  	_ =	shalt  }
0x5b: {  	_ =	shalt  }
0x5c: {  	_ =	shalt  }
0x5d: {  	_ =	shalt  }
0x5e: {  	_ =	shalt  }
0x5f: {  	_ =	shalt  }
0x60: {  	_ =	shalt  }
0x61: {  	_ =	shalt  }
0x62: {  	_ =	shalt  }
0x63: {  	_ =	shalt  }
0x64: {  	_ =	shalt  }
0x65: {  	_ =	shalt  }
0x66: {  	_ =	shalt  }
0x67: {  	_ =	shalt  }
0x68: {  	_ =	shalt  }
0x69: {  	_ =	shalt  }
0x6a: {  	_ =	shalt  }
0x6b: {  	_ =	shalt  }
0x6c: {  	_ =	shalt  }
0x6d: {  	_ =	shalt  }
0x6e: {  	_ =	shalt  }
0x6f: {  	_ =	shalt  }
0x70: {  	_ =	shalt  }
0x71: {  	_ =	shalt  }
0x72: {  	_ =	shalt  }
0x73: {  	_ =	shalt  }
0x74: {  	_ =	shalt  }
0x75: {  	_ =	shalt  }
0x76: {  	_ =	shalt  }
0x77: {  	_ =	shalt  }
0x78: {  	_ =	shalt  }
0x79: {  	_ =	shalt  }
0x7a: {  	_ =	shalt  }
0x7b: {  	_ =	shalt  }
0x7c: {  	_ =	shalt  }
0x7d: {  	_ =	shalt  }
0x7e: {  	_ =	shalt  }
0x7f: {  	_ =	shalt  }
0x80: {  	_ =	shalt  }
0x81: {  	_ =	shalt  }
0x82: {  	_ =	shalt  }
0x83: {  	_ =	shalt  }
0x84: {  	_ =	shalt  }
0x85: {  	_ =	shalt  }
0x86: {  	_ =	shalt  }
0x87: {  	_ =	shalt  }
.Lfunc_end0:
.L_simem_size_0:
called_computation_lowered:
.L_overlay_start_0:
0x88: {  	s2 =	sld [smem:$0x3FD9]  }
0x89: {  	s3 =	sld [smem:$0x3FFE];
	_ =	sdelay $0x1  }
0x8a: {  	s1 =	srdreg.scid  }
0x8b: {  	s0 =	sand.u32 $0x1, s1  }
0x8c: {  	s17 =	sshll.u32 s0, $0xA;
	s2 =	sadd.s32 s3, s2  }
0x8d: {  	s2 =	sadd.s32 s2, s17  }
0x8e: {  	[smem:$0x3FC6] =	sst s2  }
0x8f: {  	_ = 	snop  }
0x90: {  	s2 =	sld [smem:$0x3FC9]  }
0x91: {  	s18 =	sld [smem:$0x3FC8];
	(tm) =	ssettm $0x1  }
0x92: {  	s4 =	sld [smem:$0x3FFB];
	_ =	sdelay $0x3  }
0x93: {  	_ =	strace s4  }
0x94: {  	s4 =	sld [smem:$0x3FFC];
	_ =	sdelay $0x3  }
0x95: {  	_ =	strace s4  }
0x96: {  	s4 =	sld [smem:$0x3FFD];
	_ =	sdelay $0x3  }
0x97: {  	_ =	strace s4  }
0x98: {  	_ =	strace $0x8FFFFFFF  }
0x99: {  	s19 =	sld [smem:$0x3FDB];
	_ =	sdelay $0x1  }
0x9a: {  	s5 =	simm.s32 $_scs_section_size  }
0x9b: {  	s6 =	simm.s32 $_size__tile_overlayer_lowered;
	s7 =	simm.s32 $_tile_overlayer_lowered  }
0x9c: {  	s22 =	simm.s32 $0x1BFF;
	s21 =	sshll.u32 s7, $0x1;
	s4 =	sadd.s32 s5, s19  }
0x9d: {  	s8 =	simm.s32 $0x0;
	s20 =	sshll.u32 s6, $0x1;
	s6 =	sadd.s32 s21, s4  }
0x9e: {  	[timem:s8], [sflag:s22] =	dma.local [hbm:s6], s20  }
0x9f: {  	_ =	swait.ge [sflag:s22], s20  }
0xa0: {  	s5 =	ssub.s32 $0x0, s20;
	[sflag:s22] =	ssyncset.done $0x0  }
0xa1: {  	[sflag:s22] =	ssyncadd.s32 s5;
	_ =	sdelay $0x1  }
0xa2: {  	s23 =	simm.s32 $0x1B8B  }
0xa3: {  	_ =	swait.ge [sflag:s23], $0x1  }
0xa4: {  	[sflag:s23] =	ssyncset.done $0x0  }
0xa5: {  	s25 =	simm.s32 $0x1B8E;
	s24 =	sld [smem:$0x3FFE];
	[sflag:s23] =	ssyncadd.s32 $0xFFFFFFFF  }
0xa6: {  	s26 =	simm.s32 $execute0_lowered;
	[smem:$0x3FD2] =	sst s25  }
0xa7: {  	s6 =	sshll.u32 s26, $0x1;
	_ =	strace $0x80000046;
	[dreg:$0x1] =	wrdreg $0xFFFFFFFF  }
0xa8: {  	s28 =	simm.s32 $_size_execute0_lowered;
	s4 =	sadd.s32 s4, s6;
	[dreg:$0x0] =	wrdreg $0x0  }
0xa9: {  	s6 =	sshll.u32 s28, $0x1;
	[dreg:$0x2] =	wrdreg s4  }
0xaa: {  	[dreg:$0x3] =	wrdreg s6  }
0xab: {  	[dreg:$0x4] =	wrdreg $0xC0  }
0xac: {  	_ =	task [dreg:s8], $0x5FFFF  }
0xad: {  	[dreg:$0x1] =	wrdreg $0xFFFFFFFF  }
0xae: {  	[dreg:$0x0] =	wrdreg $0x60  }
0xaf: {  	[dreg:$0x2] =	wrdreg s2  }
0xb0: {  	[dreg:$0x3] =	wrdreg s18  }
0xb1: {  	[dreg:$0x4] =	wrdreg s24  }
0xb2: {  	[dreg:$0x5] =	wrdreg $0x9  }
0xb3: {  	_ =	task.clear_ibuf [dreg:s8], $0x6FFFF;
	_ =	strace $0x90000046  }
0xb4: {  	s29 =	simm.s32 $0x9;
	_ =	strace $0x80000048  }
0xb5: {  	_ =	swait.ge [sflag:s29], $0x1  }
0xb6: {  	[sflag:s29] =	ssyncadd.s32 $0xFFFFFFFF  }
0xb7: {  	_ =	strace $0x90000048  }
0xb8: {  	_ =	sfence  }
0xb9: {  	s30 =	sld [smem:$0x0];
	_ =	sdelay $0x2  }
0xba: {  	s31 =	sshll.u32 s1, $0xD;
	s1 =	sshrl.u32 s1, $0x2  }
0xbb: {  	s3 =	sand.u32 $0x4000, s31;
	s1 =	sadd.s32 s1, s30  }
0xbc: {  	s0 =	sor.u32 s3, s0;
	s1 =	sshll.u32 s1, $0x11  }
0xbd: {  	s0 =	sor.u32 s1, s0  }
0xbe: {  	s0 =	sadd.s32 $0x8F2B, s0  }
0xbf: {  	[sflag:s0] =	ssyncadd.remote.s32 $0x1  }
0xc0: {  	_ =	sfence.sel $0xFFFF  }
0xc1: {  	[dreg:$0x0] =	wrdreg $0xFFFFFFFF;
	(pc) =	sbr.abs _section_cstart, $3  }
0xc2: {  	[dreg:$0x1] =	wrdreg $0xFFFFFFFF  }
0xc3: {  	_ =	task.clear_ibuf [dreg:s8], $0x2FFFF;
	_ =	strace $0x9FFFFFFF  }
0xc4: {  	(tm) =	ssettm $0x7FFFFFFF  }
0xc5: {  	_ =	shalt  }
tec
execute0_lowered:
.L_overlay_start_1:
0x0: {  	(tag) =	ssettag $0x1  }
0x1: {  	s4 =	srdreg.scid  }
0x2: {  	s0 =	rddreg [dreg:$0x0];
	s6 =	stileid.u32;
	s4 =	sand.u32 $0x1, s4  }
0x3: {  	s6 =	sshll.u32 s6, $0xC;
	s5 =	ssub.s32 $0x2, s4;
	s4 =	sshll.u32 s4, $0xB  }
0x4: {  	s1 =	rddreg [dreg:$0x1];
	s2 =	simm.s32 $0x0;
	s4 =	sor.u32 s4, s6  }
0x5: {  	[smem:$0x7FF] =	sst s2;
	s6 =	sor.u32 $0x30000, s4  }
0x6: {  	s3 =	rddreg [dreg:$0x2];
	_ =	strace $0x80000047;
	s8 =	sadd.s32 s1, s6  }
0x7: {  	s14 =	sadd.s32 s4, s0;
	s15 =	sadd.s32 s0, s6;
	[dreg:$0x4] =	wrdreg s8  }
0x8: {  	s16 =	sadd.s32 $0x70000, s14;
	[dreg:$0x5] =	wrdreg s15  }
0x9: {  	s28 =	simm.s32 $0xE000;
	s17 =	sadd.s32 $0xB0000, s14;
	[dreg:$0x6] =	wrdreg s16  }
0xa: {  	s19 =	sor.u32 $0x30400, s4;
	s18 =	sadd.s32 $0xF0000, s14;
	[dreg:$0x7] =	wrdreg s17  }
0xb: {  	s31 =	simm.s32 $0x12000;
	s1 =	sadd.s32 s1, s19;
	[dreg:$0x8] =	wrdreg s18  }
0xc: {  	s9 =	simm.s32 $0xA;
	s0 =	sadd.s32 s0, s19;
	[dreg:$0x9] =	wrdreg s1  }
0xd: {  	s10 =	simm.s32 $0xB;
	s20 =	sadd.s32 $0x70400, s14;
	[dreg:$0xa] =	wrdreg s0  }
0xe: {  	s3 =	sadd.s32 $0x600, s3;
	s21 =	sadd.s32 $0xB0400, s14;
	[dreg:$0xb] =	wrdreg s20  }
0xf: {  	s13 =	sadd.s32 s3, s4;
	s22 =	sadd.s32 $0xF0400, s14;
	[dreg:$0xc] =	wrdreg s21  }
0x10: {  	s11 =	simm.s32 $0xD;
	s23 =	sadd.s32 $0x10000, s13;
	[dreg:$0xd] =	wrdreg s22  }
0x11: {  	s12 =	simm.s32 $0x11;
	s24 =	sadd.s32 $0x20000, s13;
	[dreg:$0xe] =	wrdreg s23  }
0x12: {  	s7 =	sshrl.u32 s5, $0x1;
	s25 =	sadd.s32 s3, s6;
	[dreg:$0xf] =	wrdreg s24  }
0x13: {  	s5 =	ssub.s32 s5, s7;
	s26 =	sadd.s32 $0x400, s13;
	[dreg:$0x10] =	wrdreg s25  }
0x14: {  	s4 =	simm.s32 $0x9;
	s29 =	sadd.s32 $0x10400, s13;
	[dreg:$0x11] =	wrdreg s26  }
0x15: {  	s7 =	simm.s32 $0x6;
	s30 =	sadd.s32 $0x20400, s13;
	[dreg:$0x12] =	wrdreg s29  }
0x16: {  	s6 =	simm.s32 $0x4;
	s14 =	simm.s32 $0x10;
	[dreg:$0x13] =	wrdreg s30  }
0x17: {  	s20 =	sadd.s32 s3, s19;
	s21 =	smax.u32 s5, $0x1;
	s18 =	simm.s32 $0x6000  }
0x18: {  	s19 =	simm.s32 $0xA000;
	s0 =	simm.s32 $0x1;
	s1 =	simm.s32 $0x3  }
0x19: {  	s26 =	simm.s32 $0x5;
	s3 =	simm.s32 $0x7;
	s5 =	simm.s32 $0x2  }
0x1a: {  	s8 =	simm.s32 $0x8;
	s22 =	simm.s32 $0xF;
	s23 =	simm.s32 $0xC  }
0x1b: {  	s24 =	simm.s32 $0xE;
	s25 =	simm.s32 $0x12;
	s15 =	simm.s32 $0x0  }
.LBB2_1:
0x1c: {  	s16 =	rddreg [dreg:$0x4]  }
0x1d: {  	[tilespmem:s2], [sflag:$0x1] =	stream.linear.gather [hbm4b:s16+s2], $0x2000, $0x38;
	[tilespmem:$0x14000] =	vst v63  }
0x1e: {  	s30 =	rddreg [dreg:$0x5];
	s17 =	simm.s32 $0x4000  }
0x1f: {  	[tilespmem:s17], [sflag:$0x3] =	stream.linear.gather [hbm4b:s30+s2], $0x2000, $0x38;
	[tilespmem:$0x14000] =	vst v63  }
0x20: {  	s17 =	rddreg [dreg:$0x6];
	s30 =	simm.s32 $0x8000  }
0x21: {  	[tilespmem:s30], [sflag:$0x5] =	stream.linear.gather [hbm4b:s17+s2], $0x2000, $0x38;
	[tilespmem:$0x14000] =	vst v63  }
0x22: {  	s17 =	rddreg [dreg:$0x7];
	s30 =	simm.s32 $0xC000  }
0x23: {  	[tilespmem:s30], [sflag:$0x7] =	stream.linear.gather [hbm4b:s17+s2], $0x2000, $0x38;
	[tilespmem:$0x14000] =	vst v63  }
0x24: {  	s17 =	rddreg [dreg:$0x8];
	s30 =	simm.s32 $0x10000  }
0x25: {  	[tilespmem:s30], [sflag:$0x9] =	stream.linear.gather [hbm4b:s17+s2], $0x2000, $0x38;
	[tilespmem:$0x14000] =	vst v63  }
0x26: {  	s17 =	rddreg [dreg:$0x9];
	s30 =	simm.s32 $0x2000  }
0x27: {  	[tilespmem:s30], [sflag:$0x2] =	stream.linear.gather [hbm4b:s17+s2], $0x2000, $0x38;
	[tilespmem:$0x14000] =	vst v63  }
0x28: {  	s17 =	rddreg [dreg:$0xa]  }
0x29: {  	[tilespmem:s18], [sflag:$0x4] =	stream.linear.gather [hbm4b:s17+s2], $0x2000, $0x38;
	[tilespmem:$0x14000] =	vst v63  }
0x2a: {  	s30 =	rddreg [dreg:$0xb]  }
0x2b: {  	[tilespmem:s19], [sflag:$0x6] =	stream.linear.gather [hbm4b:s30+s2], $0x2000, $0x38;
	[tilespmem:$0x14000] =	vst v63  }
0x2c: {  	s17 =	rddreg [dreg:$0xc]  }
0x2d: {  	[tilespmem:s28], [sflag:$0x8] =	stream.linear.gather [hbm4b:s17+s2], $0x2000, $0x38;
	[tilespmem:$0x14000] =	vst v63  }
0x2e: {  	s18 =	rddreg [dreg:$0xd]  }
0x2f: {  	[tilespmem:s31], [sflag:$0xA] =	stream.linear.gather [hbm4b:s18+s2], $0x2000, $0x38;
	[tilespmem:$0x14000] =	vst v63  }
0x30: {  	_ =	swait.ge [sflag:s0], $0x2000  }
0x31: {  	[sflag:s0] =	ssyncset.done $0x0  }
0x32: {  	[sflag:s0] =	ssyncadd.s32 $0xFFFFE000  }
0x33: {  	_ =	swait.ge [sflag:s1], $0x2000  }
0x34: {  	[sflag:s1] =	ssyncset.done $0x0  }
0x35: {  	[sflag:s1] =	ssyncadd.s32 $0xFFFFE000  }
0x36: {  	_ =	swait.ge [sflag:s26], $0x2000  }
0x37: {  	[sflag:s26] =	ssyncset.done $0x0  }
0x38: {  	[sflag:s26] =	ssyncadd.s32 $0xFFFFE000  }
0x39: {  	_ =	swait.ge [sflag:s3], $0x2000  }
0x3a: {  	[sflag:s3] =	ssyncset.done $0x0  }
0x3b: {  	[sflag:s3] =	ssyncadd.s32 $0xFFFFE000  }
0x3c: {  	s19 =	sand.u32 $0x1C00, s2;
	_ =	swait.ge [sflag:s4], $0x2000  }
0x3d: {  	s30 =	sor.u32 s19, s2;
	[sflag:s4] =	ssyncset.done $0x0  }
0x3e: {  	s17 =	sor.u32 $0x70, s30;
	[sflag:s4] =	ssyncadd.s32 $0xFFFFE000  }
0x3f: {  	v0 =	vld [tilespmem:s17+$0x0]  }
0x40: {  	v1 =	vld [tilespmem:s17+$0x10000]  }
0x41: {  	v2 =	vld [tilespmem:s17+$0x4000]  }
0x42: {  	s28 =	sand.u32 $0x380, s2;
	v3 =	vld [tilespmem:s17+$0x8000]  }
0x43: {  	s16 =	sor.u32 s28, s19;
	v4 =	vld [tilespmem:s17+$0xC000]  }
0x44: {  	v5 =	vld [tilespmem:s16+$0x0]  }
0x45: {  	v6 =	vld [tilespmem:s16+$0x4000]  }
0x46: {  	v7 =	vld [tilespmem:s16+$0x8000]  }
0x47: {  	v8 =	vld [tilespmem:s16+$0xC000]  }
0x48: {  	v9 =	vld [tilespmem:s16+$0x10000]  }
0x49: {  	v10 =	vld [tilespmem:s16+$0x10]  }
0x4a: {  	v11 =	vld [tilespmem:s16+$0x4010];
	v1 =	vadd.f32 v1, v0  }
0x4b: {  	v12 =	vld [tilespmem:s16+$0x8010];
	v2 =	vadd.f32 v2, v0  }
0x4c: {  	v62 =	vld [tilespmem:s16+$0x30];
	v3 =	vadd.f32 v3, v0;
	[tilespmem:s17+$0x10000] =	vst v1  }
0x4d: {  	v63 =	vld [tilespmem:s16+$0x40];
	v0 =	vadd.f32 v4, v0;
	[tilespmem:s17+$0x4000] =	vst v2  }
0x4e: {  	v4 =	vld [tilespmem:s16+$0x20];
	[tilespmem:s17+$0x8000] =	vst v3;
	v3 =	vadd.f32 v6, v5  }
0x4f: {  	v1 =	vld [tilespmem:s16+$0xC010];
	[tilespmem:s17+$0xC000] =	vst v0;
	v0 =	vadd.f32 v7, v5  }
0x50: {  	v2 =	vld [tilespmem:s16+$0x10010];
	[tilespmem:s16+$0x4000] =	vst v3;
	v3 =	vadd.f32 v8, v5  }
0x51: {  	v6 =	vld [tilespmem:s16+$0x4020];
	[tilespmem:s16+$0x8000] =	vst v0;
	v0 =	vadd.f32 v9, v5  }
0x52: {  	v7 =	vld [tilespmem:s16+$0x8020];
	[tilespmem:s16+$0xC000] =	vst v3;
	v3 =	vadd.f32 v11, v10  }
0x53: {  	v5 =	vld [tilespmem:s16+$0xC020];
	[tilespmem:s16+$0x10000] =	vst v0;
	v0 =	vadd.f32 v12, v10  }
0x54: {  	v8 =	vld [tilespmem:s16+$0x10020];
	v1 =	vadd.f32 v1, v10;
	[tilespmem:s16+$0x4010] =	vst v3  }
0x55: {  	v3 =	vld [tilespmem:s16+$0x4030];
	[tilespmem:s16+$0x8010] =	vst v0;
	v0 =	vadd.f32 v2, v10  }
0x56: {  	v2 =	vld [tilespmem:s16+$0x8030];
	[tilespmem:s16+$0xC010] =	vst v1;
	v1 =	vadd.f32 v6, v4  }
0x57: {  	v6 =	vld [tilespmem:s16+$0xC030];
	[tilespmem:s16+$0x10010] =	vst v0;
	v0 =	vadd.f32 v7, v4  }
0x58: {  	v7 =	vld [tilespmem:s16+$0x10030];
	[tilespmem:s16+$0x4020] =	vst v1;
	v1 =	vadd.f32 v5, v4  }
0x59: {  	[tilespmem:s16+$0x8020] =	vst v0;
	v0 =	vadd.f32 v8, v4;
	v4 =	vld [tilespmem:s16+$0x4040]  }
0x5a: {  	[tilespmem:s16+$0xC020] =	vst v1;
	v1 =	vadd.f32 v3, v62;
	v3 =	vld [tilespmem:s16+$0x8040]  }
0x5b: {  	[tilespmem:s16+$0x10020] =	vst v0;
	v0 =	vadd.f32 v2, v62;
	v2 =	vld [tilespmem:s16+$0xC040]  }
0x5c: {  	[tilespmem:s16+$0x4030] =	vst v1;
	v1 =	vadd.f32 v6, v62;
	v6 =	vld [tilespmem:s16+$0x10040]  }
0x5d: {  	v5 =	vadd.f32 v7, v62;
	[tilespmem:s16+$0x8030] =	vst v0;
	v0 =	vld [tilespmem:s16+$0x50]  }
0x5e: {  	[tilespmem:s16+$0xC030] =	vst v1;
	v1 =	vadd.f32 v4, v63;
	v4 =	vld [tilespmem:s16+$0x4050]  }
0x5f: {  	[tilespmem:s16+$0x10030] =	vst v5;
	v5 =	vld [tilespmem:s16+$0x8050];
	v7 =	vadd.f32 v3, v63  }
0x60: {  	v3 =	vld [tilespmem:s16+$0xC050];
	[tilespmem:s16+$0x4040] =	vst v1;
	v1 =	vadd.f32 v2, v63  }
0x61: {  	v2 =	vld [tilespmem:s16+$0x10050];
	[tilespmem:s16+$0x8040] =	vst v7;
	v6 =	vadd.f32 v6, v63  }
0x62: {  	[tilespmem:s16+$0xC040] =	vst v1;
	v1 =	vld [tilespmem:s16+$0x60]  }
0x63: {  	s29 =	simm.s32 $0x0;
	s28 =	simm.s32 $0x0;
	s17 =	simm.s32 $0x400;
	[tilespmem:s16+$0x10040] =	vst v6;
	v6 =	vadd.f32 v4, v0;
	v4 =	vld [tilespmem:s16+$0x4060]  }
.LBB2_2:
0x64: {  	s18 =	sand.u32 $0x1C00, s17;
	v5 =	vadd.f32 v5, v0;
	v7 =	vld [tilespmem:s16+$0x8060];
	s29 =	sadd.s32 $0x10, s29  }
0x65: {  	s28 =	sadd.s32 $0x80, s28;
	s30 =	sand.u32 $0x380, s29;
	s19 =	sor.u32 s18, s29;
	[tilespmem:s16+$0x4050] =	vst v6;
	v3 =	vadd.f32 v3, v0;
	v6 =	vld [tilespmem:s16+$0xC060]  }
0x66: {  	p0 =	slt.u32 s28, $0x1F80;
	s18 =	sor.u32 s30, s18;
	s19 =	sor.u32 $0x70, s19;
	[tilespmem:s16+$0x8050] =	vst v5;
	v0 =	vadd.f32 v2, v0;
	v2 =	vld [tilespmem:s16+$0x10060]  }
0x67: {  	v5 =	vld [tilespmem:s19+$0x0];
	[tilespmem:s16+$0xC050] =	vst v3  }
0x68: {  	v3 =	vld [tilespmem:s19+$0x10000];
	[tilespmem:s16+$0x10050] =	vst v0;
	v0 =	vadd.f32 v4, v1  }
0x69: {  	v4 =	vld [tilespmem:s19+$0x4000];
	v7 =	vadd.f32 v7, v1  }
0x6a: {  	v8 =	vld [tilespmem:s19+$0x8000];
	[tilespmem:s16+$0x4060] =	vst v0;
	v0 =	vadd.f32 v6, v1  }
0x6b: {  	v6 =	vld [tilespmem:s19+$0xC000];
	[tilespmem:s16+$0x8060] =	vst v7;
	v1 =	vadd.f32 v2, v1  }
0x6c: {  	v2 =	vld [tilespmem:s18+$0x0];
	[tilespmem:s16+$0xC060] =	vst v0  }
0x6d: {  	v0 =	vld [tilespmem:s18+$0x4000];
	v3 =	vadd.f32 v3, v5;
	[tilespmem:s16+$0x10060] =	vst v1;
	s16 =	smov.u32 s18  }
0x6e: {  	v1 =	vld [tilespmem:s16+$0x8000];
	v4 =	vadd.f32 v4, v5  }
0x6f: {  	v7 =	vld [tilespmem:s16+$0xC000];
	v8 =	vadd.f32 v8, v5;
	[tilespmem:s19+$0x10000] =	vst v3  }
0x70: {  	v3 =	vld [tilespmem:s16+$0x10000];
	[tilespmem:s19+$0x4000] =	vst v4;
	v4 =	vadd.f32 v6, v5  }
0x71: {  	v5 =	vld [tilespmem:s16+$0x10];
	[tilespmem:s19+$0x8000] =	vst v8  }
0x72: {  	v0 =	vadd.f32 v0, v2;
	v6 =	vld [tilespmem:s16+$0x4010];
	[tilespmem:s19+$0xC000] =	vst v4  }
0x73: {  	v1 =	vadd.f32 v1, v2;
	v4 =	vld [tilespmem:s16+$0x8010]  }
0x74: {  	[tilespmem:s16+$0x4000] =	vst v0;
	v0 =	vadd.f32 v7, v2;
	v7 =	vld [tilespmem:s16+$0xC010]  }
0x75: {  	[tilespmem:s16+$0x8000] =	vst v1;
	v1 =	vadd.f32 v3, v2;
	v2 =	vld [tilespmem:s16+$0x10010]  }
0x76: {  	[tilespmem:s16+$0xC000] =	vst v0;
	v0 =	vld [tilespmem:s16+$0x20]  }
0x77: {  	[tilespmem:s16+$0x10000] =	vst v1;
	v1 =	vadd.f32 v6, v5;
	v3 =	vld [tilespmem:s16+$0x4020]  }
0x78: {  	v4 =	vadd.f32 v4, v5;
	v6 =	vld [tilespmem:s16+$0x8020]  }
0x79: {  	[tilespmem:s16+$0x4010] =	vst v1;
	v1 =	vadd.f32 v7, v5;
	v7 =	vld [tilespmem:s16+$0xC020]  }
0x7a: {  	[tilespmem:s16+$0x8010] =	vst v4;
	v2 =	vadd.f32 v2, v5;
	v4 =	vld [tilespmem:s16+$0x10020]  }
0x7b: {  	[tilespmem:s16+$0xC010] =	vst v1;
	v1 =	vld [tilespmem:s16+$0x30]  }
0x7c: {  	[tilespmem:s16+$0x10010] =	vst v2;
	v2 =	vadd.f32 v3, v0;
	v3 =	vld [tilespmem:s16+$0x4030]  }
0x7d: {  	v5 =	vadd.f32 v6, v0;
	v6 =	vld [tilespmem:s16+$0x8030]  }
0x7e: {  	[tilespmem:s16+$0x4020] =	vst v2;
	v2 =	vadd.f32 v7, v0;
	v7 =	vld [tilespmem:s16+$0xC030]  }
0x7f: {  	[tilespmem:s16+$0x8020] =	vst v5;
	v0 =	vadd.f32 v4, v0;
	v4 =	vld [tilespmem:s16+$0x10030]  }
0x80: {  	[tilespmem:s16+$0xC020] =	vst v2;
	v2 =	vld [tilespmem:s16+$0x40]  }
0x81: {  	[tilespmem:s16+$0x10020] =	vst v0;
	v0 =	vadd.f32 v3, v1;
	v3 =	vld [tilespmem:s16+$0x4040]  }
0x82: {  	v5 =	vadd.f32 v6, v1;
	v6 =	vld [tilespmem:s16+$0x8040]  }
0x83: {  	[tilespmem:s16+$0x4030] =	vst v0;
	v0 =	vadd.f32 v7, v1;
	v7 =	vld [tilespmem:s16+$0xC040]  }
0x84: {  	[tilespmem:s16+$0x8030] =	vst v5;
	v1 =	vadd.f32 v4, v1;
	v4 =	vld [tilespmem:s16+$0x10040]  }
0x85: {  	[tilespmem:s16+$0xC030] =	vst v0;
	v0 =	vld [tilespmem:s16+$0x50]  }
0x86: {  	[tilespmem:s16+$0x10030] =	vst v1;
	v1 =	vadd.f32 v3, v2;
	v8 =	vld [tilespmem:s16+$0x4050]  }
.Ltmp0:
0x87: {  	v6 =	vadd.f32 v6, v2;
	v5 =	vld [tilespmem:s16+$0x8050];
	(pc) =	sbr.rel @p0 .LBB2_2-.Ltmp0, $4  }
0x88: {  	[tilespmem:s16+$0x4040] =	vst v1;
	v1 =	vadd.f32 v7, v2;
	v3 =	vld [tilespmem:s16+$0xC050]  }
0x89: {  	[tilespmem:s16+$0x8040] =	vst v6;
	v4 =	vadd.f32 v4, v2;
	v2 =	vld [tilespmem:s16+$0x10050]  }
0x8a: {  	[tilespmem:s16+$0xC040] =	vst v1;
	v1 =	vld [tilespmem:s16+$0x60]  }
0x8b: {  	s17 =	sadd.s32 $0x400, s17;
	[tilespmem:s16+$0x10040] =	vst v4;
	v6 =	vadd.f32 v8, v0;
	v4 =	vld [tilespmem:s16+$0x4060]  }
0x8c: {  	v7 =	vld [tilespmem:s16+$0x8060]  }
0x8d: {  	v5 =	vadd.f32 v5, v0;
	v8 =	vld [tilespmem:s16+$0xC060]  }
0x8e: {  	[tilespmem:s16+$0x4050] =	vst v6;
	v3 =	vadd.f32 v3, v0;
	v6 =	vld [tilespmem:s16+$0x10060]  }
0x8f: {  	[tilespmem:s16+$0x8050] =	vst v5;
	v0 =	vadd.f32 v2, v0  }
0x90: {  	[tilespmem:s16+$0xC050] =	vst v3;
	v2 =	vadd.f32 v4, v1  }
0x91: {  	[tilespmem:s16+$0x10050] =	vst v0;
	v0 =	vadd.f32 v7, v1  }
0x92: {  	[tilespmem:s16+$0x4060] =	vst v2;
	v2 =	vadd.f32 v8, v1  }
0x93: {  	[tilespmem:s16+$0x8060] =	vst v0;
	v0 =	vadd.f32 v6, v1  }
0x94: {  	[tilespmem:s16+$0xC060] =	vst v2  }
0x95: {  	s17 =	simm.s32 $0x4000;
	[tilespmem:s16+$0x10060] =	vst v0;
	s16 =	simm.s32 $0x0  }
0x96: {  	[hbm4b:s13+s16] =	stream.linear.scatter [tilespmem:s17], [sflag:$0xB], $0x2000, $0x38;
	[tilespmem:$0x14000] =	vst v63  }
0x97: {  	s18 =	simm.s32 $0x8000;
	s30 =	rddreg [dreg:$0xe]  }
0x98: {  	[hbm4b:s30+s16] =	stream.linear.scatter [tilespmem:s18], [sflag:$0xD], $0x2000, $0x38;
	[tilespmem:$0x14000] =	vst v63  }
0x99: {  	s19 =	rddreg [dreg:$0xf];
	s30 =	simm.s32 $0xC000  }
0x9a: {  	[hbm4b:s19+s16] =	stream.linear.scatter [tilespmem:s30], [sflag:$0xF], $0x2000, $0x38;
	[tilespmem:$0x14000] =	vst v63  }
0x9b: {  	s18 =	rddreg [dreg:$0x10];
	s19 =	simm.s32 $0x10000  }
0x9c: {  	[hbm4b:s18+s16] =	stream.linear.scatter [tilespmem:s19], [sflag:$0x11], $0x2000, $0x38;
	[tilespmem:$0x14000] =	vst v63  }
0x9d: {  	_ =	swait.ge [sflag:s5], $0x2000  }
0x9e: {  	[sflag:s5] =	ssyncset.done $0x0  }
0x9f: {  	[sflag:s5] =	ssyncadd.s32 $0xFFFFE000  }
0xa0: {  	_ =	swait.ge [sflag:s6], $0x2000  }
0xa1: {  	[sflag:s6] =	ssyncset.done $0x0  }
0xa2: {  	[sflag:s6] =	ssyncadd.s32 $0xFFFFE000  }
0xa3: {  	_ =	swait.ge [sflag:s7], $0x2000  }
0xa4: {  	[sflag:s7] =	ssyncset.done $0x0  }
0xa5: {  	[sflag:s7] =	ssyncadd.s32 $0xFFFFE000  }
0xa6: {  	_ =	swait.ge [sflag:s8], $0x2000  }
0xa7: {  	[sflag:s8] =	ssyncset.done $0x0  }
0xa8: {  	[sflag:s8] =	ssyncadd.s32 $0xFFFFE000  }
0xa9: {  	s17 =	sand.u32 $0x1C00, s16;
	_ =	swait.ge [sflag:s9], $0x2000  }
0xaa: {  	s30 =	sor.u32 s17, s16;
	[sflag:s9] =	ssyncset.done $0x0  }
0xab: {  	s18 =	sor.u32 $0x70, s30;
	[sflag:s9] =	ssyncadd.s32 $0xFFFFE000  }
0xac: {  	v0 =	vld [tilespmem:s18+$0x2000]  }
0xad: {  	v1 =	vld [tilespmem:s18+$0x12000]  }
0xae: {  	v2 =	vld [tilespmem:s18+$0x6000]  }
0xaf: {  	s19 =	sand.u32 $0x380, s16;
	v3 =	vld [tilespmem:s18+$0xA000]  }
0xb0: {  	s28 =	sor.u32 s19, s17;
	v4 =	vld [tilespmem:s18+$0xE000]  }
0xb1: {  	v5 =	vld [tilespmem:s28+$0x2000]  }
0xb2: {  	v6 =	vld [tilespmem:s28+$0x6000]  }
0xb3: {  	v7 =	vld [tilespmem:s28+$0xA000]  }
0xb4: {  	v8 =	vld [tilespmem:s28+$0xE000]  }
0xb5: {  	v9 =	vld [tilespmem:s28+$0x12000]  }
0xb6: {  	v10 =	vld [tilespmem:s28+$0x2010]  }
0xb7: {  	v11 =	vld [tilespmem:s28+$0x6010];
	v1 =	vadd.f32 v1, v0  }
0xb8: {  	v12 =	vld [tilespmem:s28+$0xA010];
	v2 =	vadd.f32 v2, v0  }
0xb9: {  	v62 =	vld [tilespmem:s28+$0x2030];
	v3 =	vadd.f32 v3, v0;
	[tilespmem:s18+$0x12000] =	vst v1  }
0xba: {  	v63 =	vld [tilespmem:s28+$0x2040];
	v0 =	vadd.f32 v4, v0;
	[tilespmem:s18+$0x6000] =	vst v2  }
0xbb: {  	v4 =	vld [tilespmem:s28+$0x2020];
	[tilespmem:s18+$0xA000] =	vst v3;
	v3 =	vadd.f32 v6, v5  }
0xbc: {  	v1 =	vld [tilespmem:s28+$0xE010];
	[tilespmem:s18+$0xE000] =	vst v0;
	v0 =	vadd.f32 v7, v5  }
0xbd: {  	v2 =	vld [tilespmem:s28+$0x12010];
	[tilespmem:s28+$0x6000] =	vst v3;
	v3 =	vadd.f32 v8, v5  }
0xbe: {  	v6 =	vld [tilespmem:s28+$0x6020];
	[tilespmem:s28+$0xA000] =	vst v0;
	v0 =	vadd.f32 v9, v5  }
0xbf: {  	v7 =	vld [tilespmem:s28+$0xA020];
	[tilespmem:s28+$0xE000] =	vst v3;
	v3 =	vadd.f32 v11, v10  }
0xc0: {  	v5 =	vld [tilespmem:s28+$0xE020];
	[tilespmem:s28+$0x12000] =	vst v0;
	v0 =	vadd.f32 v12, v10  }
0xc1: {  	v8 =	vld [tilespmem:s28+$0x12020];
	v1 =	vadd.f32 v1, v10;
	[tilespmem:s28+$0x6010] =	vst v3  }
0xc2: {  	v3 =	vld [tilespmem:s28+$0x6030];
	[tilespmem:s28+$0xA010] =	vst v0;
	v0 =	vadd.f32 v2, v10  }
0xc3: {  	v2 =	vld [tilespmem:s28+$0xA030];
	[tilespmem:s28+$0xE010] =	vst v1;
	v1 =	vadd.f32 v6, v4  }
0xc4: {  	v6 =	vld [tilespmem:s28+$0xE030];
	[tilespmem:s28+$0x12010] =	vst v0;
	v0 =	vadd.f32 v7, v4  }
0xc5: {  	v7 =	vld [tilespmem:s28+$0x12030];
	[tilespmem:s28+$0x6020] =	vst v1;
	v1 =	vadd.f32 v5, v4  }
0xc6: {  	[tilespmem:s28+$0xA020] =	vst v0;
	v0 =	vadd.f32 v8, v4;
	v4 =	vld [tilespmem:s28+$0x6040]  }
0xc7: {  	[tilespmem:s28+$0xE020] =	vst v1;
	v1 =	vadd.f32 v3, v62;
	v3 =	vld [tilespmem:s28+$0xA040]  }
0xc8: {  	[tilespmem:s28+$0x12020] =	vst v0;
	v0 =	vadd.f32 v2, v62;
	v2 =	vld [tilespmem:s28+$0xE040]  }
0xc9: {  	[tilespmem:s28+$0x6030] =	vst v1;
	v1 =	vadd.f32 v6, v62;
	v6 =	vld [tilespmem:s28+$0x12040]  }
0xca: {  	v5 =	vadd.f32 v7, v62;
	[tilespmem:s28+$0xA030] =	vst v0;
	v0 =	vld [tilespmem:s28+$0x2050]  }
0xcb: {  	[tilespmem:s28+$0xE030] =	vst v1;
	v1 =	vadd.f32 v4, v63;
	v4 =	vld [tilespmem:s28+$0x6050]  }
0xcc: {  	[tilespmem:s28+$0x12030] =	vst v5;
	v5 =	vld [tilespmem:s28+$0xA050];
	v7 =	vadd.f32 v3, v63  }
0xcd: {  	v3 =	vld [tilespmem:s28+$0xE050];
	[tilespmem:s28+$0x6040] =	vst v1;
	v1 =	vadd.f32 v2, v63  }
0xce: {  	v2 =	vld [tilespmem:s28+$0x12050];
	[tilespmem:s28+$0xA040] =	vst v7;
	v6 =	vadd.f32 v6, v63  }
0xcf: {  	[tilespmem:s28+$0xE040] =	vst v1;
	v1 =	vld [tilespmem:s28+$0x2060]  }
0xd0: {  	s29 =	simm.s32 $0x400;
	s17 =	simm.s32 $0x0;
	[tilespmem:s28+$0x12040] =	vst v6;
	v6 =	vadd.f32 v4, v0;
	v4 =	vld [tilespmem:s28+$0x6060]  }
.LBB2_4:
0xd1: {  	s18 =	sand.u32 $0x1C00, s29;
	v5 =	vadd.f32 v5, v0;
	v7 =	vld [tilespmem:s28+$0xA060];
	s16 =	sadd.s32 $0x10, s16  }
0xd2: {  	s17 =	sadd.s32 $0x80, s17;
	s19 =	sand.u32 $0x380, s16;
	s30 =	sor.u32 s18, s16;
	[tilespmem:s28+$0x6050] =	vst v6;
	v3 =	vadd.f32 v3, v0;
	v6 =	vld [tilespmem:s28+$0xE060]  }
0xd3: {  	p0 =	slt.u32 s17, $0x1F80;
	s18 =	sor.u32 s19, s18;
	s19 =	sor.u32 $0x70, s30;
	[tilespmem:s28+$0xA050] =	vst v5;
	v0 =	vadd.f32 v2, v0;
	v2 =	vld [tilespmem:s28+$0x12060]  }
0xd4: {  	v5 =	vld [tilespmem:s19+$0x2000];
	[tilespmem:s28+$0xE050] =	vst v3  }
0xd5: {  	v3 =	vld [tilespmem:s19+$0x12000];
	[tilespmem:s28+$0x12050] =	vst v0;
	v0 =	vadd.f32 v4, v1  }
0xd6: {  	v4 =	vld [tilespmem:s19+$0x6000];
	v7 =	vadd.f32 v7, v1  }
0xd7: {  	v8 =	vld [tilespmem:s19+$0xA000];
	[tilespmem:s28+$0x6060] =	vst v0;
	v0 =	vadd.f32 v6, v1  }
0xd8: {  	v6 =	vld [tilespmem:s19+$0xE000];
	[tilespmem:s28+$0xA060] =	vst v7;
	v1 =	vadd.f32 v2, v1  }
0xd9: {  	v2 =	vld [tilespmem:s18+$0x2000];
	[tilespmem:s28+$0xE060] =	vst v0  }
0xda: {  	v0 =	vld [tilespmem:s18+$0x6000];
	v3 =	vadd.f32 v3, v5;
	[tilespmem:s28+$0x12060] =	vst v1;
	s28 =	smov.u32 s18  }
0xdb: {  	v1 =	vld [tilespmem:s28+$0xA000];
	v4 =	vadd.f32 v4, v5  }
0xdc: {  	v7 =	vld [tilespmem:s28+$0xE000];
	v8 =	vadd.f32 v8, v5;
	[tilespmem:s19+$0x12000] =	vst v3  }
0xdd: {  	v3 =	vld [tilespmem:s28+$0x12000];
	[tilespmem:s19+$0x6000] =	vst v4;
	v4 =	vadd.f32 v6, v5  }
0xde: {  	v5 =	vld [tilespmem:s28+$0x2010];
	[tilespmem:s19+$0xA000] =	vst v8  }
0xdf: {  	v0 =	vadd.f32 v0, v2;
	v6 =	vld [tilespmem:s28+$0x6010];
	[tilespmem:s19+$0xE000] =	vst v4  }
0xe0: {  	v1 =	vadd.f32 v1, v2;
	v4 =	vld [tilespmem:s28+$0xA010]  }
0xe1: {  	[tilespmem:s28+$0x6000] =	vst v0;
	v0 =	vadd.f32 v7, v2;
	v7 =	vld [tilespmem:s28+$0xE010]  }
0xe2: {  	[tilespmem:s28+$0xA000] =	vst v1;
	v1 =	vadd.f32 v3, v2;
	v2 =	vld [tilespmem:s28+$0x12010]  }
0xe3: {  	[tilespmem:s28+$0xE000] =	vst v0;
	v0 =	vld [tilespmem:s28+$0x2020]  }
0xe4: {  	[tilespmem:s28+$0x12000] =	vst v1;
	v1 =	vadd.f32 v6, v5;
	v3 =	vld [tilespmem:s28+$0x6020]  }
0xe5: {  	v4 =	vadd.f32 v4, v5;
	v6 =	vld [tilespmem:s28+$0xA020]  }
0xe6: {  	[tilespmem:s28+$0x6010] =	vst v1;
	v1 =	vadd.f32 v7, v5;
	v7 =	vld [tilespmem:s28+$0xE020]  }
0xe7: {  	[tilespmem:s28+$0xA010] =	vst v4;
	v2 =	vadd.f32 v2, v5;
	v4 =	vld [tilespmem:s28+$0x12020]  }
0xe8: {  	[tilespmem:s28+$0xE010] =	vst v1;
	v1 =	vld [tilespmem:s28+$0x2030]  }
0xe9: {  	[tilespmem:s28+$0x12010] =	vst v2;
	v2 =	vadd.f32 v3, v0;
	v3 =	vld [tilespmem:s28+$0x6030]  }
0xea: {  	v5 =	vadd.f32 v6, v0;
	v6 =	vld [tilespmem:s28+$0xA030]  }
0xeb: {  	[tilespmem:s28+$0x6020] =	vst v2;
	v2 =	vadd.f32 v7, v0;
	v7 =	vld [tilespmem:s28+$0xE030]  }
0xec: {  	[tilespmem:s28+$0xA020] =	vst v5;
	v0 =	vadd.f32 v4, v0;
	v4 =	vld [tilespmem:s28+$0x12030]  }
0xed: {  	[tilespmem:s28+$0xE020] =	vst v2;
	v2 =	vld [tilespmem:s28+$0x2040]  }
0xee: {  	[tilespmem:s28+$0x12020] =	vst v0;
	v0 =	vadd.f32 v3, v1;
	v3 =	vld [tilespmem:s28+$0x6040]  }
0xef: {  	v5 =	vadd.f32 v6, v1;
	v6 =	vld [tilespmem:s28+$0xA040]  }
0xf0: {  	[tilespmem:s28+$0x6030] =	vst v0;
	v0 =	vadd.f32 v7, v1;
	v7 =	vld [tilespmem:s28+$0xE040]  }
0xf1: {  	[tilespmem:s28+$0xA030] =	vst v5;
	v1 =	vadd.f32 v4, v1;
	v4 =	vld [tilespmem:s28+$0x12040]  }
0xf2: {  	[tilespmem:s28+$0xE030] =	vst v0;
	v0 =	vld [tilespmem:s28+$0x2050]  }
0xf3: {  	[tilespmem:s28+$0x12030] =	vst v1;
	v1 =	vadd.f32 v3, v2;
	v8 =	vld [tilespmem:s28+$0x6050]  }
.Ltmp1:
0xf4: {  	v6 =	vadd.f32 v6, v2;
	v5 =	vld [tilespmem:s28+$0xA050];
	(pc) =	sbr.rel @p0 .LBB2_4-.Ltmp1, $4  }
0xf5: {  	[tilespmem:s28+$0x6040] =	vst v1;
	v1 =	vadd.f32 v7, v2;
	v3 =	vld [tilespmem:s28+$0xE050]  }
0xf6: {  	[tilespmem:s28+$0xA040] =	vst v6;
	v4 =	vadd.f32 v4, v2;
	v2 =	vld [tilespmem:s28+$0x12050]  }
0xf7: {  	[tilespmem:s28+$0xE040] =	vst v1;
	v1 =	vld [tilespmem:s28+$0x2060]  }
0xf8: {  	s29 =	sadd.s32 $0x400, s29;
	[tilespmem:s28+$0x12040] =	vst v4;
	v6 =	vadd.f32 v8, v0;
	v4 =	vld [tilespmem:s28+$0x6060]  }
0xf9: {  	v7 =	vld [tilespmem:s28+$0xA060]  }
0xfa: {  	v5 =	vadd.f32 v5, v0;
	v8 =	vld [tilespmem:s28+$0xE060]  }
0xfb: {  	v58 =	vld [tilespmem:s28+$0x12060];
	[tilespmem:s28+$0x6050] =	vst v6;
	v3 =	vadd.f32 v3, v0  }
0xfc: {  	[tilespmem:s28+$0xA050] =	vst v5;
	v59 =	vadd.f32 v2, v0  }
0xfd: {  	[tilespmem:s28+$0xE050] =	vst v3;
	v60 =	vadd.f32 v4, v1  }
0xfe: {  	[tilespmem:s28+$0x12050] =	vst v59;
	v61 =	vadd.f32 v7, v1  }
0xff: {  	v62 =	vadd.f32 v8, v1;
	[tilespmem:s28+$0x6060] =	vst v60  }
0x100: {  	v63 =	vadd.f32 v58, v1;
	[tilespmem:s28+$0xA060] =	vst v61  }
0x101: {  	[tilespmem:s28+$0xE060] =	vst v62  }
0x102: {  	[tilespmem:s28+$0x12060] =	vst v63  }
0x103: {  	s18 =	simm.s32 $0x6000;
	s16 =	rddreg [dreg:$0x11]  }
0x104: {  	[hbm4b:s16+s2] =	stream.linear.scatter [tilespmem:s18], [sflag:$0xC], $0x2000, $0x38;
	[tilespmem:$0x14000] =	vst v63  }
0x105: {  	s19 =	simm.s32 $0xA000;
	s29 =	rddreg [dreg:$0x12]  }
0x106: {  	[hbm4b:s29+s2] =	stream.linear.scatter [tilespmem:s19], [sflag:$0xE], $0x2000, $0x38;
	[tilespmem:$0x14000] =	vst v63  }
0x107: {  	s28 =	simm.s32 $0xE000;
	s30 =	rddreg [dreg:$0x13]  }
0x108: {  	[hbm4b:s30+s2] =	stream.linear.scatter [tilespmem:s28], [sflag:$0x10], $0x2000, $0x38;
	[tilespmem:$0x14000] =	vst v63  }
0x109: {  	_ = 	snop  }
0x10a: {  	[hbm4b:s20+s2] =	stream.linear.scatter [tilespmem:s31], [sflag:$0x12], $0x2000, $0x38;
	[tilespmem:$0x14000] =	vst v63  }
0x10b: {  	_ =	swait.ge [sflag:s10], $0x2000  }
0x10c: {  	[sflag:s10] =	ssyncset.done $0x0  }
0x10d: {  	[sflag:s10] =	ssyncadd.s32 $0xFFFFE000  }
0x10e: {  	_ =	swait.ge [sflag:s11], $0x2000  }
0x10f: {  	[sflag:s11] =	ssyncset.done $0x0  }
0x110: {  	[sflag:s11] =	ssyncadd.s32 $0xFFFFE000  }
0x111: {  	_ =	swait.ge [sflag:s22], $0x2000  }
0x112: {  	[sflag:s22] =	ssyncset.done $0x0  }
0x113: {  	[sflag:s22] =	ssyncadd.s32 $0xFFFFE000  }
0x114: {  	_ =	swait.ge [sflag:s12], $0x2000  }
0x115: {  	[sflag:s12] =	ssyncset.done $0x0  }
0x116: {  	[sflag:s12] =	ssyncadd.s32 $0xFFFFE000  }
0x117: {  	_ =	swait.ge [sflag:s23], $0x2000  }
0x118: {  	[sflag:s23] =	ssyncset.done $0x0  }
0x119: {  	[sflag:s23] =	ssyncadd.s32 $0xFFFFE000  }
0x11a: {  	_ =	swait.ge [sflag:s24], $0x2000  }
0x11b: {  	[sflag:s24] =	ssyncset.done $0x0  }
0x11c: {  	s15 =	sadd.s32 $0x1, s15;
	[sflag:s24] =	ssyncadd.s32 $0xFFFFE000  }
0x11d: {  	p0 =	sne.s32 s15, s21;
	_ =	swait.ge [sflag:s14], $0x2000  }
.Ltmp2:
0x11e: {  	[sflag:s14] =	ssyncset.done $0x0;
	(pc) =	sbr.rel @p0 .LBB2_1-.Ltmp2, $4  }
0x11f: {  	[sflag:s14] =	ssyncadd.s32 $0xFFFFE000  }
0x120: {  	_ =	swait.ge [sflag:s25], $0x2000  }
0x121: {  	[sflag:s25] =	ssyncset.done $0x0  }
0x122: {  	[sflag:s25] =	ssyncadd.s32 $0xFFFFE000  }
0x123: {  	_ =	sfence.sel $0x180000  }
0x124: {  	[bflag:$0x0] =	sbarrier.arrive $0xFFFF  }
0x125: {  	_ =	strace $0x90000047  }
0x126: {  	s0 =	stileid.u32;
	[bflag:$0x2] =	sbarrier.arrive $0xFFFF  }
0x127: {  	p0 =	sne.s32 s0, $0x0;
	s0 =	rddreg [dreg:$0x3]  }
0x128: {  	s0 =	sadd.s32 @!p0 $0x100000, s0  }
0x129: {  	[sflag:s0] =	ssyncadd.tile.s32 @!p0 $0x1;
	_ =	shalt  }
.Lfunc_end2:
_tile_overlayer_lowered:
.L_overlay_start_2:
0x12a: {  	(tag) =	ssettag $0x2  }
0x12b: {  	s0 =	rddreg [dreg:$0x0];
	s2 =	stileid.u32  }
0x12c: {  	s1 =	rddreg [dreg:$0x1];
	p0 =	sne.s32 s2, $0x0  }
0x12d: {  	s3 =	rddreg [dreg:$0x2];
	[bflag:$0x3] =	sbarrier.arrive $0xFFFF;
	s2 =	simm.s32 @!p0 $0x1C13  }
0x12e: {  	[timem:s3], [sflag:s2] =	dma.local @!p0 [hbm:s0], s1  }
0x12f: {  	s0 =	simm.s32 @!p0 $0x13  }
0x130: {  	_ =	swait.ge @!p0 [sflag:s0], s1  }
0x131: {  	s1 =	ssub.s32 @!p0 $0x0, s1;
	[sflag:s0] =	ssyncset.done @!p0 $0x0  }
0x132: {  	[sflag:s0] =	ssyncadd.s32 @!p0 s1  }
0x133: {  	[bflag:$0x3] =	sbarrier.arrive $0xFFFF  }
0x134: {  	_ =	shalt  }

</sc_bundles>
